<compile_context>
chip_gen: v7x
topology: tpu7x:2x2x1
jax: 0.10.2.dev20260603
libtpu: 0.0.44.dev20260713+nightly
codegen_flags: <defaults>
</compile_context>

<pallas_src>
import functools

import jax
import jax.numpy as jnp
from jax import lax
from jax.experimental import pallas as pl
from jax.experimental.pallas import tpu as pltpu
from jax.experimental.pallas import tpu_sc as plsc

N_NODES = 10000
N_EDGES = 320000
D_FEAT = 128
D_EDGE = 16

NC = 2
NS = 16
NW = NC * NS
CW = 128
ROWS = N_EDGES // CW
B0 = 72
B1 = 8
B2 = 4
N_PAD = 10240
ZSLICE = N_PAD // NS

_GRID = 20
_EB = 16384
ROWS_PAD = _GRID * _EB // CW


def _msg_kernel(attr_ref, wm_ref, s_ref, msg_ref):
    m = jnp.sum(attr_ref[...] * wm_ref[...], axis=1) + s_ref[2]
    msg_ref[...] = m.reshape(_EB // CW, CW)


_msg_call = pl.pallas_call(
    _msg_kernel,
    grid=(_GRID,),
    in_specs=[
        pl.BlockSpec((_EB, D_EDGE), lambda i: (i, 0)),
        pl.BlockSpec((1, D_EDGE), lambda i: (0, 0)),
        pl.BlockSpec(memory_space=pltpu.SMEM),
    ],
    out_specs=pl.BlockSpec((_EB // CW, CW), lambda i: (i, 0)),
    out_shape=jax.ShapeDtypeStruct((ROWS_PAD, CW), jnp.float32),
)


_mesh = plsc.VectorSubcoreMesh(core_axis_name="c", subcore_axis_name="s")


@functools.partial(
    pl.kernel,
    mesh=_mesh,
    out_type=jax.ShapeDtypeStruct((NC, N_PAD), jnp.float32),
    scratch_types=[
        pltpu.VMEM((B0, CW), jnp.int32),
        pltpu.VMEM((B0, CW), jnp.float32),
        pltpu.VMEM((B1, CW), jnp.int32),
        pltpu.VMEM((B1, CW), jnp.float32),
        pltpu.VMEM((B2, CW), jnp.int32),
        pltpu.VMEM((B2, CW), jnp.float32),
        pltpu.VMEM((ZSLICE,), jnp.float32),
        pltpu.VMEM_SHARED((N_PAD,), jnp.float32),
    ],
)
def _scatter_call(dst_hbm, msg_hbm, out_hbm,
                  idx_v, msg_v, idx_x, msg_x, idx_t, msg_t, zbuf, aggr_sh):
    c = lax.axis_index("c")
    s = lax.axis_index("s")
    wid = c * NS + s
    start = pl.multiple_of(wid * B0 + B1 * jnp.minimum(wid, 24), 8)
    start2 = pl.multiple_of(start + B0, 8)
    has_extra = wid < 24
    is_tail = wid == NW - 1
    for j in range(ZSLICE // 16):
        zbuf[pl.ds(j * 16, 16)] = jnp.zeros((16,), jnp.float32)
    pltpu.sync_copy(zbuf, aggr_sh.at[pl.ds(s * ZSLICE, ZSLICE)])
    pltpu.sync_copy(dst_hbm.at[pl.ds(start, B0)], idx_v)
    pltpu.sync_copy(msg_hbm.at[pl.ds(start, B0)], msg_v)

    @pl.when(has_extra)
    def _():
        pltpu.sync_copy(dst_hbm.at[pl.ds(start2, B1)], idx_x)
        pltpu.sync_copy(msg_hbm.at[pl.ds(start2, B1)], msg_x)

    @pl.when(is_tail)
    def _():
        pltpu.sync_copy(dst_hbm.at[pl.ds(start2, B2)], idx_t)
        pltpu.sync_copy(msg_hbm.at[pl.ds(start2, B2)], msg_t)

    plsc.subcore_barrier()

    def body(j, carry):
        pltpu.sync_copy(msg_v.at[j], aggr_sh.at[idx_v.at[j]], add=True)
        return carry

    lax.fori_loop(0, B0, body, 0)

    @pl.when(has_extra)
    def _():
        def bodyx(j, carry):
            pltpu.sync_copy(msg_x.at[j], aggr_sh.at[idx_x.at[j]], add=True)
            return carry
        lax.fori_loop(0, B1, bodyx, 0)

    @pl.when(is_tail)
    def _():
        def bodyt(j, carry):
            pltpu.sync_copy(msg_t.at[j], aggr_sh.at[idx_t.at[j]], add=True)
            return carry
        lax.fori_loop(0, B2, bodyt, 0)

    plsc.subcore_barrier()

    @pl.when(s == 0)
    def _():
        pltpu.sync_copy(aggr_sh, out_hbm.at[c])


def _upd_kernel(x_ref, a0_ref, a1_ref, wu_ref, s_ref, out_ref):
    xb = x_ref[...]
    r = jnp.sum(xb * wu_ref[...], axis=1, keepdims=True)
    aggr = a0_ref[...] + a1_ref[...]
    out_ref[...] = xb[:, 0:1] + r + aggr * xb[:, 3:4] * s_ref[0] + s_ref[1]


_upd_call = pl.pallas_call(
    _upd_kernel,
    grid=(10,),
    in_specs=[
        pl.BlockSpec((1000, 128), lambda i: (i, 0)),
        pl.BlockSpec((1000, 1), lambda i: (i, 0)),
        pl.BlockSpec((1000, 1), lambda i: (i, 0)),
        pl.BlockSpec((1, 128), lambda i: (0, 0)),
        pl.BlockSpec(memory_space=pltpu.SMEM),
    ],
    out_specs=pl.BlockSpec((1000, 1), lambda i: (i, 0)),
    out_shape=jax.ShapeDtypeStruct((N_NODES, 1), jnp.float32),
)


def kernel(x, edge_index, edge_attr, W_msg, b_msg, W_upd, b_upd):
    wm = W_msg.reshape(1, D_EDGE)
    scal = jnp.stack([W_upd[D_FEAT, 0], b_upd[0], b_msg[0]])

    msg = _msg_call(edge_attr, wm, scal)

    dst2d = edge_index[1].astype(jnp.int32).reshape(ROWS, CW)
    aggr2 = _scatter_call(dst2d, msg)

    a0 = aggr2[0, :N_NODES].reshape(N_NODES, 1)
    a1 = aggr2[1, :N_NODES].reshape(N_NODES, 1)
    w_vec = W_upd[:D_FEAT].reshape(1, D_FEAT)
    return _upd_call(x, a0, a1, w_vec, scal)

# --- scband reference (transcript-rebuilt; emitter-appended) ---
"""Pipeline reference for scband-heat-equation-gnn-85306640433889 (READ-ONLY COPY).

The authoritative reference and input builder live on the scoring server;
editing this copy changes nothing except your own understanding.
"""

import jax, jax.numpy as jnp
import numpy as np

N_NODES = 10000
N_EDGES = 320000
D_FEAT = 128
D_EDGE = 16


def setup_inputs(seed: int = 0) -> dict:
    key = jax.random.key(seed)
    k1, k2, k3, k4, k5, k6, k7 = jax.random.split(key, 7)
    x = jax.random.normal(k1, (N_NODES, D_FEAT), dtype=jnp.float32)
    edge_index = jax.random.randint(k2, (2, N_EDGES), 0, N_NODES, dtype=jnp.int64)
    edge_attr = jax.random.normal(k3, (N_EDGES, D_EDGE), dtype=jnp.float32)
    # mlp_msg: Linear(edge_dim -> 1)
    W_msg = jax.random.normal(k4, (D_EDGE, 1), dtype=jnp.float32) * (1.0 / np.sqrt(D_EDGE))
    b_msg = jax.random.normal(k5, (1,), dtype=jnp.float32) * 0.01
    # mlp_upd: Linear(in_channels + 1 -> 1)
    W_upd = jax.random.normal(k6, (D_FEAT + 1, 1), dtype=jnp.float32) * (1.0 / np.sqrt(D_FEAT + 1))
    b_upd = jax.random.normal(k7, (1,), dtype=jnp.float32) * 0.01
    return {"x": x, "edge_index": edge_index, "edge_attr": edge_attr,
            "W_msg": W_msg, "b_msg": b_msg, "W_upd": W_upd, "b_upd": b_upd}


def reference(x, edge_index, edge_attr, W_msg, b_msg, W_upd, b_upd):
    # message: mlp_msg(edge_attr), per edge -> [E, 1]
    msg = edge_attr @ W_msg + b_msg
    # aggregate: scatter-add messages to destination nodes (PyG flow source_to_target: dst = edge_index[1])
    dst = edge_index[1]
    aggr = jnp.zeros((x.shape[0], 1), dtype=x.dtype).at[dst].add(msg)
    # update: scaled_aggr = aggr * x[:, 3:4]; concat [x, scaled_aggr]; mlp_upd -> [N, 1]
    scaled_aggr = aggr * x[:, 3:4]
    input_upd = jnp.concatenate([x, scaled_aggr], axis=-1)
    upd = input_upd @ W_upd + b_upd
    # forward: x[:, 0:1] + propagate(...)
    return x[:, 0:1] + upd

if __name__ == "__main__":
    import jax
    _d = setup_inputs()
    print(jax.jit(kernel)(*tuple(_d.values())))

</pallas_src>

<mosaic_0001>
#map = affine_map<(d0, d1) -> (0, 0)>
module attributes {stable_mosaic.version = 14 : i64} {
  func.func @_scatter_call(%arg0: i32, %arg1: i32, %arg2: memref<2500x128xi32, #tpu.memory_space<hbm>>, %arg3: memref<2560x128xf32, #tpu.memory_space<hbm>>, %arg4: memref<2x10240xf32, #tpu.memory_space<hbm>>, %arg5: memref<72x128xi32, #tpu.memory_space<vmem>>, %arg6: memref<72x128xf32, #tpu.memory_space<vmem>>, %arg7: memref<8x128xi32, #tpu.memory_space<vmem>>, %arg8: memref<8x128xf32, #tpu.memory_space<vmem>>, %arg9: memref<4x128xi32, #tpu.memory_space<vmem>>, %arg10: memref<4x128xf32, #tpu.memory_space<vmem>>, %arg11: memref<640xf32, #tpu.memory_space<vmem>>, %arg12: memref<10240xf32, #tpu.memory_space<vmem_shared>>) attributes {dimension_semantics = [#tpu.dimension_semantics<core_parallel>, #tpu.dimension_semantics<subcore_parallel>], iteration_bounds = array<i64: 2, 16>, scalar_prefetch = 0 : i64, scratch_operands = 8 : i64, tpu.core_type = #tpu.core_type<sc_vector_subcore>, window_params = [{transform_indices = #map}, {transform_indices = #map}, {transform_indices = #map}]} {
    %mul3A = arith.constant 16 : i32
    %mul3A_0 = arith.muli %arg0, %mul3A : i32
    %add3A = arith.addi %mul3A_0, %arg1 : i32
    %mul3A_1 = arith.constant 72 : i32
    %mul3A_2 = arith.muli %add3A, %mul3A_1 : i32
    %min3A = arith.constant 24 : i32
    %min3A_3 = arith.minsi %add3A, %min3A : i32
    %mul3A_4 = arith.constant 8 : i32
    %mul3A_5 = arith.muli %mul3A_4, %min3A_3 : i32
    %add3A_6 = arith.addi %mul3A_2, %mul3A_5 : i32
    %multiple_of3A = tpu.assume_multiple %add3A_6, 8 : i32
    %add3A_7 = arith.constant 72 : i32
    %add3A_8 = arith.addi %multiple_of3A, %add3A_7 : i32
    %multiple_of3A_9 = tpu.assume_multiple %add3A_8, 8 : i32
    %lt3A = arith.constant 24 : i32
    %lt3A_10 = arith.cmpi slt, %add3A, %lt3A : i32
    %eq3A = arith.constant 31 : i32
    %eq3A_11 = arith.cmpi eq, %add3A, %eq3A : i32
    %broadcast_in_dim3A = arith.constant 0.000000e+00 : f32
    %broadcast_in_dim3A_12 = vector.broadcast %broadcast_in_dim3A : f32 to vector<16xf32>
    %swap3A = arith.constant 0 : index
    %swap3A_13 = tpu.vector_load %arg11[%swap3A] {strides = array<i32>} : memref<640xf32, #tpu.memory_space<vmem>>, vector<16xf32>,
    %swap3A_14 = vector.shape_cast %swap3A_13 : vector<16xf32> to vector<16xf32>
    %swap3A_15 = vector.shape_cast %broadcast_in_dim3A_12 : vector<16xf32> to vector<16xf32>
    tpu.vector_store %arg11[%swap3A], %swap3A_15 {strides = array<i32>} : memref<640xf32, #tpu.memory_space<vmem>>, vector<16xf32>,
    %broadcast_in_dim3A_16 = arith.constant 0.000000e+00 : f32
    %broadcast_in_dim3A_17 = vector.broadcast %broadcast_in_dim3A_16 : f32 to vector<16xf32>
    %swap3A_18 = arith.constant 16 : index
    %swap3A_19 = tpu.vector_load %arg11[%swap3A_18] {strides = array<i32>} : memref<640xf32, #tpu.memory_space<vmem>>, vector<16xf32>,
    %swap3A_20 = vector.shape_cast %swap3A_19 : vector<16xf32> to vector<16xf32>
    %swap3A_21 = vector.shape_cast %broadcast_in_dim3A_17 : vector<16xf32> to vector<16xf32>
    tpu.vector_store %arg11[%swap3A_18], %swap3A_21 {strides = array<i32>} : memref<640xf32, #tpu.memory_space<vmem>>, vector<16xf32>,
    %broadcast_in_dim3A_22 = arith.constant 0.000000e+00 : f32
    %broadcast_in_dim3A_23 = vector.broadcast %broadcast_in_dim3A_22 : f32 to vector<16xf32>
    %swap3A_24 = arith.constant 32 : index
    %swap3A_25 = tpu.vector_load %arg11[%swap3A_24] {strides = array<i32>} : memref<640xf32, #tpu.memory_space<vmem>>, vector<16xf32>,
    %swap3A_26 = vector.shape_cast %swap3A_25 : vector<16xf32> to vector<16xf32>
    %swap3A_27 = vector.shape_cast %broadcast_in_dim3A_23 : vector<16xf32> to vector<16xf32>
    tpu.vector_store %arg11[%swap3A_24], %swap3A_27 {strides = array<i32>} : memref<640xf32, #tpu.memory_space<vmem>>, vector<16xf32>,
    %broadcast_in_dim3A_28 = arith.constant 0.000000e+00 : f32
    %broadcast_in_dim3A_29 = vector.broadcast %broadcast_in_dim3A_28 : f32 to vector<16xf32>
    %swap3A_30 = arith.constant 48 : index
    %swap3A_31 = tpu.vector_load %arg11[%swap3A_30] {strides = array<i32>} : memref<640xf32, #tpu.memory_space<vmem>>, vector<16xf32>,
    %swap3A_32 = vector.shape_cast %swap3A_31 : vector<16xf32> to vector<16xf32>
    %swap3A_33 = vector.shape_cast %broadcast_in_dim3A_29 : vector<16xf32> to vector<16xf32>
    tpu.vector_store %arg11[%swap3A_30], %swap3A_33 {strides = array<i32>} : memref<640xf32, #tpu.memory_space<vmem>>, vector<16xf32>,
    %broadcast_in_dim3A_34 = arith.constant 0.000000e+00 : f32
    %broadcast_in_dim3A_35 = vector.broadcast %broadcast_in_dim3A_34 : f32 to vector<16xf32>
    %swap3A_36 = arith.constant 64 : index
    %swap3A_37 = tpu.vector_load %arg11[%swap3A_36] {strides = array<i32>} : memref<640xf32, #tpu.memory_space<vmem>>, vector<16xf32>,
    %swap3A_38 = vector.shape_cast %swap3A_37 : vector<16xf32> to vector<16xf32>
    %swap3A_39 = vector.shape_cast %broadcast_in_dim3A_35 : vector<16xf32> to vector<16xf32>
    tpu.vector_store %arg11[%swap3A_36], %swap3A_39 {strides = array<i32>} : memref<640xf32, #tpu.memory_space<vmem>>, vector<16xf32>,
    %broadcast_in_dim3A_40 = arith.constant 0.000000e+00 : f32
    %broadcast_in_dim3A_41 = vector.broadcast %broadcast_in_dim3A_40 : f32 to vector<16xf32>
    %swap3A_42 = arith.constant 80 : index
    %swap3A_43 = tpu.vector_load %arg11[%swap3A_42] {strides = array<i32>} : memref<640xf32, #tpu.memory_space<vmem>>, vector<16xf32>,
    %swap3A_44 = vector.shape_cast %swap3A_43 : vector<16xf32> to vector<16xf32>
    %swap3A_45 = vector.shape_cast %broadcast_in_dim3A_41 : vector<16xf32> to vector<16xf32>
    tpu.vector_store %arg11[%swap3A_42], %swap3A_45 {strides = array<i32>} : memref<640xf32, #tpu.memory_space<vmem>>, vector<16xf32>,
    %broadcast_in_dim3A_46 = arith.constant 0.000000e+00 : f32
    %broadcast_in_dim3A_47 = vector.broadcast %broadcast_in_dim3A_46 : f32 to vector<16xf32>
    %swap3A_48 = arith.constant 96 : index
    %swap3A_49 = tpu.vector_load %arg11[%swap3A_48] {strides = array<i32>} : memref<640xf32, #tpu.memory_space<vmem>>, vector<16xf32>,
    %swap3A_50 = vector.shape_cast %swap3A_49 : vector<16xf32> to vector<16xf32>
    %swap3A_51 = vector.shape_cast %broadcast_in_dim3A_47 : vector<16xf32> to vector<16xf32>
    tpu.vector_store %arg11[%swap3A_48], %swap3A_51 {strides = array<i32>} : memref<640xf32, #tpu.memory_space<vmem>>, vector<16xf32>,
    %broadcast_in_dim3A_52 = arith.constant 0.000000e+00 : f32
    %broadcast_in_dim3A_53 = vector.broadcast %broadcast_in_dim3A_52 : f32 to vector<16xf32>
    %swap3A_54 = arith.constant 112 : index
    %swap3A_55 = tpu.vector_load %arg11[%swap3A_54] {strides = array<i32>} : memref<640xf32, #tpu.memory_space<vmem>>, vector<16xf32>,
    %swap3A_56 = vector.shape_cast %swap3A_55 : vector<16xf32> to vector<16xf32>
    %swap3A_57 = vector.shape_cast %broadcast_in_dim3A_53 : vector<16xf32> to vector<16xf32>
    tpu.vector_store %arg11[%swap3A_54], %swap3A_57 {strides = array<i32>} : memref<640xf32, #tpu.memory_space<vmem>>, vector<16xf32>,
    %broadcast_in_dim3A_58 = arith.constant 0.000000e+00 : f32
    %broadcast_in_dim3A_59 = vector.broadcast %broadcast_in_dim3A_58 : f32 to vector<16xf32>
    %swap3A_60 = arith.constant 128 : index
    %swap3A_61 = tpu.vector_load %arg11[%swap3A_60] {strides = array<i32>} : memref<640xf32, #tpu.memory_space<vmem>>, vector<16xf32>,
    %swap3A_62 = vector.shape_cast %swap3A_61 : vector<16xf32> to vector<16xf32>
    %swap3A_63 = vector.shape_cast %broadcast_in_dim3A_59 : vector<16xf32> to vector<16xf32>
    tpu.vector_store %arg11[%swap3A_60], %swap3A_63 {strides = array<i32>} : memref<640xf32, #tpu.memory_space<vmem>>, vector<16xf32>,
    %broadcast_in_dim3A_64 = arith.constant 0.000000e+00 : f32
    %broadcast_in_dim3A_65 = vector.broadcast %broadcast_in_dim3A_64 : f32 to vector<16xf32>
    %swap3A_66 = arith.constant 144 : index
    %swap3A_67 = tpu.vector_load %arg11[%swap3A_66] {strides = array<i32>} : memref<640xf32, #tpu.memory_space<vmem>>, vector<16xf32>,
    %swap3A_68 = vector.shape_cast %swap3A_67 : vector<16xf32> to vector<16xf32>
    %swap3A_69 = vector.shape_cast %broadcast_in_dim3A_65 : vector<16xf32> to vector<16xf32>
    tpu.vector_store %arg11[%swap3A_66], %swap3A_69 {strides = array<i32>} : memref<640xf32, #tpu.memory_space<vmem>>, vector<16xf32>,
    %broadcast_in_dim3A_70 = arith.constant 0.000000e+00 : f32
    %broadcast_in_dim3A_71 = vector.broadcast %broadcast_in_dim3A_70 : f32 to vector<16xf32>
    %swap3A_72 = arith.constant 160 : index
    %swap3A_73 = tpu.vector_load %arg11[%swap3A_72] {strides = array<i32>} : memref<640xf32, #tpu.memory_space<vmem>>, vector<16xf32>,
    %swap3A_74 = vector.shape_cast %swap3A_73 : vector<16xf32> to vector<16xf32>
    %swap3A_75 = vector.shape_cast %broadcast_in_dim3A_71 : vector<16xf32> to vector<16xf32>
    tpu.vector_store %arg11[%swap3A_72], %swap3A_75 {strides = array<i32>} : memref<640xf32, #tpu.memory_space<vmem>>, vector<16xf32>,
    %broadcast_in_dim3A_76 = arith.constant 0.000000e+00 : f32
    %broadcast_in_dim3A_77 = vector.broadcast %broadcast_in_dim3A_76 : f32 to vector<16xf32>
    %swap3A_78 = arith.constant 176 : index
    %swap3A_79 = tpu.vector_load %arg11[%swap3A_78] {strides = array<i32>} : memref<640xf32, #tpu.memory_space<vmem>>, vector<16xf32>,
    %swap3A_80 = vector.shape_cast %swap3A_79 : vector<16xf32> to vector<16xf32>
    %swap3A_81 = vector.shape_cast %broadcast_in_dim3A_77 : vector<16xf32> to vector<16xf32>
    tpu.vector_store %arg11[%swap3A_78], %swap3A_81 {strides = array<i32>} : memref<640xf32, #tpu.memory_space<vmem>>, vector<16xf32>,
    %broadcast_in_dim3A_82 = arith.constant 0.000000e+00 : f32
    %broadcast_in_dim3A_83 = vector.broadcast %broadcast_in_dim3A_82 : f32 to vector<16xf32>
    %swap3A_84 = arith.constant 192 : index
    %swap3A_85 = tpu.vector_load %arg11[%swap3A_84] {strides = array<i32>} : memref<640xf32, #tpu.memory_space<vmem>>, vector<16xf32>,
    %swap3A_86 = vector.shape_cast %swap3A_85 : vector<16xf32> to vector<16xf32>
    %swap3A_87 = vector.shape_cast %broadcast_in_dim3A_83 : vector<16xf32> to vector<16xf32>
    tpu.vector_store %arg11[%swap3A_84], %swap3A_87 {strides = array<i32>} : memref<640xf32, #tpu.memory_space<vmem>>, vector<16xf32>,
    %broadcast_in_dim3A_88 = arith.constant 0.000000e+00 : f32
    %broadcast_in_dim3A_89 = vector.broadcast %broadcast_in_dim3A_88 : f32 to vector<16xf32>
    %swap3A_90 = arith.constant 208 : index
    %swap3A_91 = tpu.vector_load %arg11[%swap3A_90] {strides = array<i32>} : memref<640xf32, #tpu.memory_space<vmem>>, vector<16xf32>,
    %swap3A_92 = vector.shape_cast %swap3A_91 : vector<16xf32> to vector<16xf32>
    %swap3A_93 = vector.shape_cast %broadcast_in_dim3A_89 : vector<16xf32> to vector<16xf32>
    tpu.vector_store %arg11[%swap3A_90], %swap3A_93 {strides = array<i32>} : memref<640xf32, #tpu.memory_space<vmem>>, vector<16xf32>,
    %broadcast_in_dim3A_94 = arith.constant 0.000000e+00 : f32
    %broadcast_in_dim3A_95 = vector.broadcast %broadcast_in_dim3A_94 : f32 to vector<16xf32>
    %swap3A_96 = arith.constant 224 : index
    %swap3A_97 = tpu.vector_load %arg11[%swap3A_96] {strides = array<i32>} : memref<640xf32, #tpu.memory_space<vmem>>, vector<16xf32>,
    %swap3A_98 = vector.shape_cast %swap3A_97 : vector<16xf32> to vector<16xf32>
    %swap3A_99 = vector.shape_cast %broadcast_in_dim3A_95 : vector<16xf32> to vector<16xf32>
    tpu.vector_store %arg11[%swap3A_96], %swap3A_99 {strides = array<i32>} : memref<640xf32, #tpu.memory_space<vmem>>, vector<16xf32>,
    %broadcast_in_dim3A_100 = arith.constant 0.000000e+00 : f32
    %broadcast_in_dim3A_101 = vector.broadcast %broadcast_in_dim3A_100 : f32 to vector<16xf32>
    %swap3A_102 = arith.constant 240 : index
    %swap3A_103 = tpu.vector_load %arg11[%swap3A_102] {strides = array<i32>} : memref<640xf32, #tpu.memory_space<vmem>>, vector<16xf32>,
    %swap3A_104 = vector.shape_cast %swap3A_103 : vector<16xf32> to vector<16xf32>
    %swap3A_105 = vector.shape_cast %broadcast_in_dim3A_101 : vector<16xf32> to vector<16xf32>
    tpu.vector_store %arg11[%swap3A_102], %swap3A_105 {strides = array<i32>} : memref<640xf32, #tpu.memory_space<vmem>>, vector<16xf32>,
    %broadcast_in_dim3A_106 = arith.constant 0.000000e+00 : f32
    %broadcast_in_dim3A_107 = vector.broadcast %broadcast_in_dim3A_106 : f32 to vector<16xf32>
    %swap3A_108 = arith.constant 256 : index
    %swap3A_109 = tpu.vector_load %arg11[%swap3A_108] {strides = array<i32>} : memref<640xf32, #tpu.memory_space<vmem>>, vector<16xf32>,
    %swap3A_110 = vector.shape_cast %swap3A_109 : vector<16xf32> to vector<16xf32>
    %swap3A_111 = vector.shape_cast %broadcast_in_dim3A_107 : vector<16xf32> to vector<16xf32>
    tpu.vector_store %arg11[%swap3A_108], %swap3A_111 {strides = array<i32>} : memref<640xf32, #tpu.memory_space<vmem>>, vector<16xf32>,
    %broadcast_in_dim3A_112 = arith.constant 0.000000e+00 : f32
    %broadcast_in_dim3A_113 = vector.broadcast %broadcast_in_dim3A_112 : f32 to vector<16xf32>
    %swap3A_114 = arith.constant 272 : index
    %swap3A_115 = tpu.vector_load %arg11[%swap3A_114] {strides = array<i32>} : memref<640xf32, #tpu.memory_space<vmem>>, vector<16xf32>,
    %swap3A_116 = vector.shape_cast %swap3A_115 : vector<16xf32> to vector<16xf32>
    %swap3A_117 = vector.shape_cast %broadcast_in_dim3A_113 : vector<16xf32> to vector<16xf32>
    tpu.vector_store %arg11[%swap3A_114], %swap3A_117 {strides = array<i32>} : memref<640xf32, #tpu.memory_space<vmem>>, vector<16xf32>,
    %broadcast_in_dim3A_118 = arith.constant 0.000000e+00 : f32
    %broadcast_in_dim3A_119 = vector.broadcast %broadcast_in_dim3A_118 : f32 to vector<16xf32>
    %swap3A_120 = arith.constant 288 : index
    %swap3A_121 = tpu.vector_load %arg11[%swap3A_120] {strides = array<i32>} : memref<640xf32, #tpu.memory_space<vmem>>, vector<16xf32>,
    %swap3A_122 = vector.shape_cast %swap3A_121 : vector<16xf32> to vector<16xf32>
    %swap3A_123 = vector.shape_cast %broadcast_in_dim3A_119 : vector<16xf32> to vector<16xf32>
    tpu.vector_store %arg11[%swap3A_120], %swap3A_123 {strides = array<i32>} : memref<640xf32, #tpu.memory_space<vmem>>, vector<16xf32>,
    %broadcast_in_dim3A_124 = arith.constant 0.000000e+00 : f32
    %broadcast_in_dim3A_125 = vector.broadcast %broadcast_in_dim3A_124 : f32 to vector<16xf32>
    %swap3A_126 = arith.constant 304 : index
    %swap3A_127 = tpu.vector_load %arg11[%swap3A_126] {strides = array<i32>} : memref<640xf32, #tpu.memory_space<vmem>>, vector<16xf32>,
    %swap3A_128 = vector.shape_cast %swap3A_127 : vector<16xf32> to vector<16xf32>
    %swap3A_129 = vector.shape_cast %broadcast_in_dim3A_125 : vector<16xf32> to vector<16xf32>
    tpu.vector_store %arg11[%swap3A_126], %swap3A_129 {strides = array<i32>} : memref<640xf32, #tpu.memory_space<vmem>>, vector<16xf32>,
    %broadcast_in_dim3A_130 = arith.constant 0.000000e+00 : f32
    %broadcast_in_dim3A_131 = vector.broadcast %broadcast_in_dim3A_130 : f32 to vector<16xf32>
    %swap3A_132 = arith.constant 320 : index
    %swap3A_133 = tpu.vector_load %arg11[%swap3A_132] {strides = array<i32>} : memref<640xf32, #tpu.memory_space<vmem>>, vector<16xf32>,
    %swap3A_134 = vector.shape_cast %swap3A_133 : vector<16xf32> to vector<16xf32>
    %swap3A_135 = vector.shape_cast %broadcast_in_dim3A_131 : vector<16xf32> to vector<16xf32>
    tpu.vector_store %arg11[%swap3A_132], %swap3A_135 {strides = array<i32>} : memref<640xf32, #tpu.memory_space<vmem>>, vector<16xf32>,
    %broadcast_in_dim3A_136 = arith.constant 0.000000e+00 : f32
    %broadcast_in_dim3A_137 = vector.broadcast %broadcast_in_dim3A_136 : f32 to vector<16xf32>
    %swap3A_138 = arith.constant 336 : index
    %swap3A_139 = tpu.vector_load %arg11[%swap3A_138] {strides = array<i32>} : memref<640xf32, #tpu.memory_space<vmem>>, vector<16xf32>,
    %swap3A_140 = vector.shape_cast %swap3A_139 : vector<16xf32> to vector<16xf32>
    %swap3A_141 = vector.shape_cast %broadcast_in_dim3A_137 : vector<16xf32> to vector<16xf32>
    tpu.vector_store %arg11[%swap3A_138], %swap3A_141 {strides = array<i32>} : memref<640xf32, #tpu.memory_space<vmem>>, vector<16xf32>,
    %broadcast_in_dim3A_142 = arith.constant 0.000000e+00 : f32
    %broadcast_in_dim3A_143 = vector.broadcast %broadcast_in_dim3A_142 : f32 to vector<16xf32>
    %swap3A_144 = arith.constant 352 : index
    %swap3A_145 = tpu.vector_load %arg11[%swap3A_144] {strides = array<i32>} : memref<640xf32, #tpu.memory_space<vmem>>, vector<16xf32>,
    %swap3A_146 = vector.shape_cast %swap3A_145 : vector<16xf32> to vector<16xf32>
    %swap3A_147 = vector.shape_cast %broadcast_in_dim3A_143 : vector<16xf32> to vector<16xf32>
    tpu.vector_store %arg11[%swap3A_144], %swap3A_147 {strides = array<i32>} : memref<640xf32, #tpu.memory_space<vmem>>, vector<16xf32>,
    %broadcast_in_dim3A_148 = arith.constant 0.000000e+00 : f32
    %broadcast_in_dim3A_149 = vector.broadcast %broadcast_in_dim3A_148 : f32 to vector<16xf32>
    %swap3A_150 = arith.constant 368 : index
    %swap3A_151 = tpu.vector_load %arg11[%swap3A_150] {strides = array<i32>} : memref<640xf32, #tpu.memory_space<vmem>>, vector<16xf32>,
    %swap3A_152 = vector.shape_cast %swap3A_151 : vector<16xf32> to vector<16xf32>
    %swap3A_153 = vector.shape_cast %broadcast_in_dim3A_149 : vector<16xf32> to vector<16xf32>
    tpu.vector_store %arg11[%swap3A_150], %swap3A_153 {strides = array<i32>} : memref<640xf32, #tpu.memory_space<vmem>>, vector<16xf32>,
    %broadcast_in_dim3A_154 = arith.constant 0.000000e+00 : f32
    %broadcast_in_dim3A_155 = vector.broadcast %broadcast_in_dim3A_154 : f32 to vector<16xf32>
    %swap3A_156 = arith.constant 384 : index
    %swap3A_157 = tpu.vector_load %arg11[%swap3A_156] {strides = array<i32>} : memref<640xf32, #tpu.memory_space<vmem>>, vector<16xf32>,
    %swap3A_158 = vector.shape_cast %swap3A_157 : vector<16xf32> to vector<16xf32>
    %swap3A_159 = vector.shape_cast %broadcast_in_dim3A_155 : vector<16xf32> to vector<16xf32>
    tpu.vector_store %arg11[%swap3A_156], %swap3A_159 {strides = array<i32>} : memref<640xf32, #tpu.memory_space<vmem>>, vector<16xf32>,
    %broadcast_in_dim3A_160 = arith.constant 0.000000e+00 : f32
    %broadcast_in_dim3A_161 = vector.broadcast %broadcast_in_dim3A_160 : f32 to vector<16xf32>
    %swap3A_162 = arith.constant 400 : index
    %swap3A_163 = tpu.vector_load %arg11[%swap3A_162] {strides = array<i32>} : memref<640xf32, #tpu.memory_space<vmem>>, vector<16xf32>,
    %swap3A_164 = vector.shape_cast %swap3A_163 : vector<16xf32> to vector<16xf32>
    %swap3A_165 = vector.shape_cast %broadcast_in_dim3A_161 : vector<16xf32> to vector<16xf32>
    tpu.vector_store %arg11[%swap3A_162], %swap3A_165 {strides = array<i32>} : memref<640xf32, #tpu.memory_space<vmem>>, vector<16xf32>,
    %broadcast_in_dim3A_166 = arith.constant 0.000000e+00 : f32
    %broadcast_in_dim3A_167 = vector.broadcast %broadcast_in_dim3A_166 : f32 to vector<16xf32>
    %swap3A_168 = arith.constant 416 : index
    %swap3A_169 = tpu.vector_load %arg11[%swap3A_168] {strides = array<i32>} : memref<640xf32, #tpu.memory_space<vmem>>, vector<16xf32>,
    %swap3A_170 = vector.shape_cast %swap3A_169 : vector<16xf32> to vector<16xf32>
    %swap3A_171 = vector.shape_cast %broadcast_in_dim3A_167 : vector<16xf32> to vector<16xf32>
    tpu.vector_store %arg11[%swap3A_168], %swap3A_171 {strides = array<i32>} : memref<640xf32, #tpu.memory_space<vmem>>, vector<16xf32>,
    %broadcast_in_dim3A_172 = arith.constant 0.000000e+00 : f32
    %broadcast_in_dim3A_173 = vector.broadcast %broadcast_in_dim3A_172 : f32 to vector<16xf32>
    %swap3A_174 = arith.constant 432 : index
    %swap3A_175 = tpu.vector_load %arg11[%swap3A_174] {strides = array<i32>} : memref<640xf32, #tpu.memory_space<vmem>>, vector<16xf32>,
    %swap3A_176 = vector.shape_cast %swap3A_175 : vector<16xf32> to vector<16xf32>
    %swap3A_177 = vector.shape_cast %broadcast_in_dim3A_173 : vector<16xf32> to vector<16xf32>
    tpu.vector_store %arg11[%swap3A_174], %swap3A_177 {strides = array<i32>} : memref<640xf32, #tpu.memory_space<vmem>>, vector<16xf32>,
    %broadcast_in_dim3A_178 = arith.constant 0.000000e+00 : f32
    %broadcast_in_dim3A_179 = vector.broadcast %broadcast_in_dim3A_178 : f32 to vector<16xf32>
    %swap3A_180 = arith.constant 448 : index
    %swap3A_181 = tpu.vector_load %arg11[%swap3A_180] {strides = array<i32>} : memref<640xf32, #tpu.memory_space<vmem>>, vector<16xf32>,
    %swap3A_182 = vector.shape_cast %swap3A_181 : vector<16xf32> to vector<16xf32>
    %swap3A_183 = vector.shape_cast %broadcast_in_dim3A_179 : vector<16xf32> to vector<16xf32>
    tpu.vector_store %arg11[%swap3A_180], %swap3A_183 {strides = array<i32>} : memref<640xf32, #tpu.memory_space<vmem>>, vector<16xf32>,
    %broadcast_in_dim3A_184 = arith.constant 0.000000e+00 : f32
    %broadcast_in_dim3A_185 = vector.broadcast %broadcast_in_dim3A_184 : f32 to vector<16xf32>
    %swap3A_186 = arith.constant 464 : index
    %swap3A_187 = tpu.vector_load %arg11[%swap3A_186] {strides = array<i32>} : memref<640xf32, #tpu.memory_space<vmem>>, vector<16xf32>,
    %swap3A_188 = vector.shape_cast %swap3A_187 : vector<16xf32> to vector<16xf32>
    %swap3A_189 = vector.shape_cast %broadcast_in_dim3A_185 : vector<16xf32> to vector<16xf32>
    tpu.vector_store %arg11[%swap3A_186], %swap3A_189 {strides = array<i32>} : memref<640xf32, #tpu.memory_space<vmem>>, vector<16xf32>,
    %broadcast_in_dim3A_190 = arith.constant 0.000000e+00 : f32
    %broadcast_in_dim3A_191 = vector.broadcast %broadcast_in_dim3A_190 : f32 to vector<16xf32>
    %swap3A_192 = arith.constant 480 : index
    %swap3A_193 = tpu.vector_load %arg11[%swap3A_192] {strides = array<i32>} : memref<640xf32, #tpu.memory_space<vmem>>, vector<16xf32>,
    %swap3A_194 = vector.shape_cast %swap3A_193 : vector<16xf32> to vector<16xf32>
    %swap3A_195 = vector.shape_cast %broadcast_in_dim3A_191 : vector<16xf32> to vector<16xf32>
    tpu.vector_store %arg11[%swap3A_192], %swap3A_195 {strides = array<i32>} : memref<640xf32, #tpu.memory_space<vmem>>, vector<16xf32>,
    %broadcast_in_dim3A_196 = arith.constant 0.000000e+00 : f32
    %broadcast_in_dim3A_197 = vector.broadcast %broadcast_in_dim3A_196 : f32 to vector<16xf32>
    %swap3A_198 = arith.constant 496 : index
    %swap3A_199 = tpu.vector_load %arg11[%swap3A_198] {strides = array<i32>} : memref<640xf32, #tpu.memory_space<vmem>>, vector<16xf32>,
    %swap3A_200 = vector.shape_cast %swap3A_199 : vector<16xf32> to vector<16xf32>
    %swap3A_201 = vector.shape_cast %broadcast_in_dim3A_197 : vector<16xf32> to vector<16xf32>
    tpu.vector_store %arg11[%swap3A_198], %swap3A_201 {strides = array<i32>} : memref<640xf32, #tpu.memory_space<vmem>>, vector<16xf32>,
    %broadcast_in_dim3A_202 = arith.constant 0.000000e+00 : f32
    %broadcast_in_dim3A_203 = vector.broadcast %broadcast_in_dim3A_202 : f32 to vector<16xf32>
    %swap3A_204 = arith.constant 512 : index
    %swap3A_205 = tpu.vector_load %arg11[%swap3A_204] {strides = array<i32>} : memref<640xf32, #tpu.memory_space<vmem>>, vector<16xf32>,
    %swap3A_206 = vector.shape_cast %swap3A_205 : vector<16xf32> to vector<16xf32>
    %swap3A_207 = vector.shape_cast %broadcast_in_dim3A_203 : vector<16xf32> to vector<16xf32>
    tpu.vector_store %arg11[%swap3A_204], %swap3A_207 {strides = array<i32>} : memref<640xf32, #tpu.memory_space<vmem>>, vector<16xf32>,
    %broadcast_in_dim3A_208 = arith.constant 0.000000e+00 : f32
    %broadcast_in_dim3A_209 = vector.broadcast %broadcast_in_dim3A_208 : f32 to vector<16xf32>
    %swap3A_210 = arith.constant 528 : index
    %swap3A_211 = tpu.vector_load %arg11[%swap3A_210] {strides = array<i32>} : memref<640xf32, #tpu.memory_space<vmem>>, vector<16xf32>,
    %swap3A_212 = vector.shape_cast %swap3A_211 : vector<16xf32> to vector<16xf32>
    %swap3A_213 = vector.shape_cast %broadcast_in_dim3A_209 : vector<16xf32> to vector<16xf32>
    tpu.vector_store %arg11[%swap3A_210], %swap3A_213 {strides = array<i32>} : memref<640xf32, #tpu.memory_space<vmem>>, vector<16xf32>,
    %broadcast_in_dim3A_214 = arith.constant 0.000000e+00 : f32
    %broadcast_in_dim3A_215 = vector.broadcast %broadcast_in_dim3A_214 : f32 to vector<16xf32>
    %swap3A_216 = arith.constant 544 : index
    %swap3A_217 = tpu.vector_load %arg11[%swap3A_216] {strides = array<i32>} : memref<640xf32, #tpu.memory_space<vmem>>, vector<16xf32>,
    %swap3A_218 = vector.shape_cast %swap3A_217 : vector<16xf32> to vector<16xf32>
    %swap3A_219 = vector.shape_cast %broadcast_in_dim3A_215 : vector<16xf32> to vector<16xf32>
    tpu.vector_store %arg11[%swap3A_216], %swap3A_219 {strides = array<i32>} : memref<640xf32, #tpu.memory_space<vmem>>, vector<16xf32>,
    %broadcast_in_dim3A_220 = arith.constant 0.000000e+00 : f32
    %broadcast_in_dim3A_221 = vector.broadcast %broadcast_in_dim3A_220 : f32 to vector<16xf32>
    %swap3A_222 = arith.constant 560 : index
    %swap3A_223 = tpu.vector_load %arg11[%swap3A_222] {strides = array<i32>} : memref<640xf32, #tpu.memory_space<vmem>>, vector<16xf32>,
    %swap3A_224 = vector.shape_cast %swap3A_223 : vector<16xf32> to vector<16xf32>
    %swap3A_225 = vector.shape_cast %broadcast_in_dim3A_221 : vector<16xf32> to vector<16xf32>
    tpu.vector_store %arg11[%swap3A_222], %swap3A_225 {strides = array<i32>} : memref<640xf32, #tpu.memory_space<vmem>>, vector<16xf32>,
    %broadcast_in_dim3A_226 = arith.constant 0.000000e+00 : f32
    %broadcast_in_dim3A_227 = vector.broadcast %broadcast_in_dim3A_226 : f32 to vector<16xf32>
    %swap3A_228 = arith.constant 576 : index
    %swap3A_229 = tpu.vector_load %arg11[%swap3A_228] {strides = array<i32>} : memref<640xf32, #tpu.memory_space<vmem>>, vector<16xf32>,
    %swap3A_230 = vector.shape_cast %swap3A_229 : vector<16xf32> to vector<16xf32>
    %swap3A_231 = vector.shape_cast %broadcast_in_dim3A_227 : vector<16xf32> to vector<16xf32>
    tpu.vector_store %arg11[%swap3A_228], %swap3A_231 {strides = array<i32>} : memref<640xf32, #tpu.memory_space<vmem>>, vector<16xf32>,
    %broadcast_in_dim3A_232 = arith.constant 0.000000e+00 : f32
    %broadcast_in_dim3A_233 = vector.broadcast %broadcast_in_dim3A_232 : f32 to vector<16xf32>
    %swap3A_234 = arith.constant 592 : index
    %swap3A_235 = tpu.vector_load %arg11[%swap3A_234] {strides = array<i32>} : memref<640xf32, #tpu.memory_space<vmem>>, vector<16xf32>,
    %swap3A_236 = vector.shape_cast %swap3A_235 : vector<16xf32> to vector<16xf32>
    %swap3A_237 = vector.shape_cast %broadcast_in_dim3A_233 : vector<16xf32> to vector<16xf32>
    tpu.vector_store %arg11[%swap3A_234], %swap3A_237 {strides = array<i32>} : memref<640xf32, #tpu.memory_space<vmem>>, vector<16xf32>,
    %broadcast_in_dim3A_238 = arith.constant 0.000000e+00 : f32
    %broadcast_in_dim3A_239 = vector.broadcast %broadcast_in_dim3A_238 : f32 to vector<16xf32>
    %swap3A_240 = arith.constant 608 : index
    %swap3A_241 = tpu.vector_load %arg11[%swap3A_240] {strides = array<i32>} : memref<640xf32, #tpu.memory_space<vmem>>, vector<16xf32>,
    %swap3A_242 = vector.shape_cast %swap3A_241 : vector<16xf32> to vector<16xf32>
    %swap3A_243 = vector.shape_cast %broadcast_in_dim3A_239 : vector<16xf32> to vector<16xf32>
    tpu.vector_store %arg11[%swap3A_240], %swap3A_243 {strides = array<i32>} : memref<640xf32, #tpu.memory_space<vmem>>, vector<16xf32>,
    %broadcast_in_dim3A_244 = arith.constant 0.000000e+00 : f32
    %broadcast_in_dim3A_245 = vector.broadcast %broadcast_in_dim3A_244 : f32 to vector<16xf32>
    %swap3A_246 = arith.constant 624 : index
    %swap3A_247 = tpu.vector_load %arg11[%swap3A_246] {strides = array<i32>} : memref<640xf32, #tpu.memory_space<vmem>>, vector<16xf32>,
    %swap3A_248 = vector.shape_cast %swap3A_247 : vector<16xf32> to vector<16xf32>
    %swap3A_249 = vector.shape_cast %broadcast_in_dim3A_245 : vector<16xf32> to vector<16xf32>
    tpu.vector_store %arg11[%swap3A_246], %swap3A_249 {strides = array<i32>} : memref<640xf32, #tpu.memory_space<vmem>>, vector<16xf32>,
    %mul3A_250 = arith.constant 640 : i32
    %mul3A_251 = arith.muli %arg1, %mul3A_250 : i32
    "tpu.region"() ({
      %run_scoped3A = tpu.sem_alloc : memref<!tpu.dma_semaphore, #tpu.memory_space<semaphore_mem>>
      %dma_start3A = tpu.memref_slice %arg12[%mul3A_251] : memref<10240xf32, #tpu.memory_space<vmem_shared>> -> memref<640xf32, #tpu.memory_space<vmem_shared>>
      %dma_start3A_273 = tpu.memref_slice %arg12[%mul3A_251] : memref<10240xf32, #tpu.memory_space<vmem_shared>> -> memref<640xf32, #tpu.memory_space<vmem_shared>>
      tpu.enqueue_dma source(%arg11 : memref<640xf32, #tpu.memory_space<vmem>>) target(%dma_start3A_273 : memref<640xf32, #tpu.memory_space<vmem_shared>>) target_semaphore(%run_scoped3A : memref<!tpu.dma_semaphore, #tpu.memory_space<semaphore_mem>>)
      %dma_wait3A = tpu.memref_slice %arg12[%mul3A_251] : memref<10240xf32, #tpu.memory_space<vmem_shared>> -> memref<640xf32, #tpu.memory_space<vmem_shared>>
      %dma_wait3A_274 = tpu.memref_slice %arg12[%mul3A_251] : memref<10240xf32, #tpu.memory_space<vmem_shared>> -> memref<640xf32, #tpu.memory_space<vmem_shared>>
      tpu.wait_dma2 semaphore(%run_scoped3A : memref<!tpu.dma_semaphore, #tpu.memory_space<semaphore_mem>>) src(%arg11 : memref<640xf32, #tpu.memory_space<vmem>>) dst(%dma_wait3A_274 : memref<640xf32, #tpu.memory_space<vmem_shared>>)
      tpu.yield
    }) : () -> ()
    "tpu.region"() ({
      %run_scoped3A = tpu.sem_alloc : memref<!tpu.dma_semaphore, #tpu.memory_space<semaphore_mem>>
      %dma_start3A = arith.constant 0 : i32
      %dma_start3A_273 = tpu.memref_slice %arg2[%multiple_of3A, %dma_start3A] : memref<2500x128xi32, #tpu.memory_space<hbm>> -> memref<72x128xi32, #tpu.memory_space<hbm>>
      %dma_start3A_274 = arith.constant 0 : i32
      %dma_start3A_275 = tpu.memref_slice %arg2[%multiple_of3A, %dma_start3A_274] : memref<2500x128xi32, #tpu.memory_space<hbm>> -> memref<72x128xi32, #tpu.memory_space<hbm>>
      tpu.enqueue_dma source(%dma_start3A_275 : memref<72x128xi32, #tpu.memory_space<hbm>>) target(%arg5 : memref<72x128xi32, #tpu.memory_space<vmem>>) target_semaphore(%run_scoped3A : memref<!tpu.dma_semaphore, #tpu.memory_space<semaphore_mem>>)
      %dma_wait3A = arith.constant 0 : i32
      %dma_wait3A_276 = tpu.memref_slice %arg2[%multiple_of3A, %dma_wait3A] : memref<2500x128xi32, #tpu.memory_space<hbm>> -> memref<72x128xi32, #tpu.memory_space<hbm>>
      %dma_wait3A_277 = arith.constant 0 : i32
      %dma_wait3A_278 = tpu.memref_slice %arg2[%multiple_of3A, %dma_wait3A_277] : memref<2500x128xi32, #tpu.memory_space<hbm>> -> memref<72x128xi32, #tpu.memory_space<hbm>>
      tpu.wait_dma2 semaphore(%run_scoped3A : memref<!tpu.dma_semaphore, #tpu.memory_space<semaphore_mem>>) src(%dma_wait3A_278 : memref<72x128xi32, #tpu.memory_space<hbm>>) dst(%arg5 : memref<72x128xi32, #tpu.memory_space<vmem>>)
      tpu.yield
    }) : () -> ()
    "tpu.region"() ({
      %run_scoped3A = tpu.sem_alloc : memref<!tpu.dma_semaphore, #tpu.memory_space<semaphore_mem>>
      %dma_start3A = arith.constant 0 : i32
      %dma_start3A_273 = tpu.memref_slice %arg3[%multiple_of3A, %dma_start3A] : memref<2560x128xf32, #tpu.memory_space<hbm>> -> memref<72x128xf32, #tpu.memory_space<hbm>>
      %dma_start3A_274 = arith.constant 0 : i32
      %dma_start3A_275 = tpu.memref_slice %arg3[%multiple_of3A, %dma_start3A_274] : memref<2560x128xf32, #tpu.memory_space<hbm>> -> memref<72x128xf32, #tpu.memory_space<hbm>>
      tpu.enqueue_dma source(%dma_start3A_275 : memref<72x128xf32, #tpu.memory_space<hbm>>) target(%arg6 : memref<72x128xf32, #tpu.memory_space<vmem>>) target_semaphore(%run_scoped3A : memref<!tpu.dma_semaphore, #tpu.memory_space<semaphore_mem>>)
      %dma_wait3A = arith.constant 0 : i32
      %dma_wait3A_276 = tpu.memref_slice %arg3[%multiple_of3A, %dma_wait3A] : memref<2560x128xf32, #tpu.memory_space<hbm>> -> memref<72x128xf32, #tpu.memory_space<hbm>>
      %dma_wait3A_277 = arith.constant 0 : i32
      %dma_wait3A_278 = tpu.memref_slice %arg3[%multiple_of3A, %dma_wait3A_277] : memref<2560x128xf32, #tpu.memory_space<hbm>> -> memref<72x128xf32, #tpu.memory_space<hbm>>
      tpu.wait_dma2 semaphore(%run_scoped3A : memref<!tpu.dma_semaphore, #tpu.memory_space<semaphore_mem>>) src(%dma_wait3A_278 : memref<72x128xf32, #tpu.memory_space<hbm>>) dst(%arg6 : memref<72x128xf32, #tpu.memory_space<vmem>>)
      tpu.yield
    }) : () -> ()
    %convert_element_type3A = arith.extui %lt3A_10 : i1 to i32
    %cond3A = arith.constant 0 : i32
    %cond3A_252 = arith.cmpi ne, %convert_element_type3A, %cond3A : i32
    scf.if %cond3A_252 {
      "tpu.region"() ({
        %run_scoped3A = tpu.sem_alloc : memref<!tpu.dma_semaphore, #tpu.memory_space<semaphore_mem>>
        %dma_start3A = arith.constant 0 : i32
        %dma_start3A_273 = tpu.memref_slice %arg2[%multiple_of3A_9, %dma_start3A] : memref<2500x128xi32, #tpu.memory_space<hbm>> -> memref<8x128xi32, #tpu.memory_space<hbm>>
        %dma_start3A_274 = arith.constant 0 : i32
        %dma_start3A_275 = tpu.memref_slice %arg2[%multiple_of3A_9, %dma_start3A_274] : memref<2500x128xi32, #tpu.memory_space<hbm>> -> memref<8x128xi32, #tpu.memory_space<hbm>>
        tpu.enqueue_dma source(%dma_start3A_275 : memref<8x128xi32, #tpu.memory_space<hbm>>) target(%arg7 : memref<8x128xi32, #tpu.memory_space<vmem>>) target_semaphore(%run_scoped3A : memref<!tpu.dma_semaphore, #tpu.memory_space<semaphore_mem>>)
        %dma_wait3A = arith.constant 0 : i32
        %dma_wait3A_276 = tpu.memref_slice %arg2[%multiple_of3A_9, %dma_wait3A] : memref<2500x128xi32, #tpu.memory_space<hbm>> -> memref<8x128xi32, #tpu.memory_space<hbm>>
        %dma_wait3A_277 = arith.constant 0 : i32
        %dma_wait3A_278 = tpu.memref_slice %arg2[%multiple_of3A_9, %dma_wait3A_277] : memref<2500x128xi32, #tpu.memory_space<hbm>> -> memref<8x128xi32, #tpu.memory_space<hbm>>
        tpu.wait_dma2 semaphore(%run_scoped3A : memref<!tpu.dma_semaphore, #tpu.memory_space<semaphore_mem>>) src(%dma_wait3A_278 : memref<8x128xi32, #tpu.memory_space<hbm>>) dst(%arg7 : memref<8x128xi32, #tpu.memory_space<vmem>>)
        tpu.yield
      }) : () -> ()
      "tpu.region"() ({
        %run_scoped3A = tpu.sem_alloc : memref<!tpu.dma_semaphore, #tpu.memory_space<semaphore_mem>>
        %dma_start3A = arith.constant 0 : i32
        %dma_start3A_273 = tpu.memref_slice %arg3[%multiple_of3A_9, %dma_start3A] : memref<2560x128xf32, #tpu.memory_space<hbm>> -> memref<8x128xf32, #tpu.memory_space<hbm>>
        %dma_start3A_274 = arith.constant 0 : i32
        %dma_start3A_275 = tpu.memref_slice %arg3[%multiple_of3A_9, %dma_start3A_274] : memref<2560x128xf32, #tpu.memory_space<hbm>> -> memref<8x128xf32, #tpu.memory_space<hbm>>
        tpu.enqueue_dma source(%dma_start3A_275 : memref<8x128xf32, #tpu.memory_space<hbm>>) target(%arg8 : memref<8x128xf32, #tpu.memory_space<vmem>>) target_semaphore(%run_scoped3A : memref<!tpu.dma_semaphore, #tpu.memory_space<semaphore_mem>>)
        %dma_wait3A = arith.constant 0 : i32
        %dma_wait3A_276 = tpu.memref_slice %arg3[%multiple_of3A_9, %dma_wait3A] : memref<2560x128xf32, #tpu.memory_space<hbm>> -> memref<8x128xf32, #tpu.memory_space<hbm>>
        %dma_wait3A_277 = arith.constant 0 : i32
        %dma_wait3A_278 = tpu.memref_slice %arg3[%multiple_of3A_9, %dma_wait3A_277] : memref<2560x128xf32, #tpu.memory_space<hbm>> -> memref<8x128xf32, #tpu.memory_space<hbm>>
        tpu.wait_dma2 semaphore(%run_scoped3A : memref<!tpu.dma_semaphore, #tpu.memory_space<semaphore_mem>>) src(%dma_wait3A_278 : memref<8x128xf32, #tpu.memory_space<hbm>>) dst(%arg8 : memref<8x128xf32, #tpu.memory_space<vmem>>)
        tpu.yield
      }) : () -> ()
    } else {
    }
    %convert_element_type3A_253 = arith.extui %eq3A_11 : i1 to i32
    %cond3A_254 = arith.constant 0 : i32
    %cond3A_255 = arith.cmpi ne, %convert_element_type3A_253, %cond3A_254 : i32
    scf.if %cond3A_255 {
      "tpu.region"() ({
        %run_scoped3A = tpu.sem_alloc : memref<!tpu.dma_semaphore, #tpu.memory_space<semaphore_mem>>
        %dma_start3A = arith.constant 0 : i32
        %dma_start3A_273 = tpu.memref_slice %arg2[%multiple_of3A_9, %dma_start3A] : memref<2500x128xi32, #tpu.memory_space<hbm>> -> memref<4x128xi32, #tpu.memory_space<hbm>>
        %dma_start3A_274 = arith.constant 0 : i32
        %dma_start3A_275 = tpu.memref_slice %arg2[%multiple_of3A_9, %dma_start3A_274] : memref<2500x128xi32, #tpu.memory_space<hbm>> -> memref<4x128xi32, #tpu.memory_space<hbm>>
        tpu.enqueue_dma source(%dma_start3A_275 : memref<4x128xi32, #tpu.memory_space<hbm>>) target(%arg9 : memref<4x128xi32, #tpu.memory_space<vmem>>) target_semaphore(%run_scoped3A : memref<!tpu.dma_semaphore, #tpu.memory_space<semaphore_mem>>)
        %dma_wait3A = arith.constant 0 : i32
        %dma_wait3A_276 = tpu.memref_slice %arg2[%multiple_of3A_9, %dma_wait3A] : memref<2500x128xi32, #tpu.memory_space<hbm>> -> memref<4x128xi32, #tpu.memory_space<hbm>>
        %dma_wait3A_277 = arith.constant 0 : i32
        %dma_wait3A_278 = tpu.memref_slice %arg2[%multiple_of3A_9, %dma_wait3A_277] : memref<2500x128xi32, #tpu.memory_space<hbm>> -> memref<4x128xi32, #tpu.memory_space<hbm>>
        tpu.wait_dma2 semaphore(%run_scoped3A : memref<!tpu.dma_semaphore, #tpu.memory_space<semaphore_mem>>) src(%dma_wait3A_278 : memref<4x128xi32, #tpu.memory_space<hbm>>) dst(%arg9 : memref<4x128xi32, #tpu.memory_space<vmem>>)
        tpu.yield
      }) : () -> ()
      "tpu.region"() ({
        %run_scoped3A = tpu.sem_alloc : memref<!tpu.dma_semaphore, #tpu.memory_space<semaphore_mem>>
        %dma_start3A = arith.constant 0 : i32
        %dma_start3A_273 = tpu.memref_slice %arg3[%multiple_of3A_9, %dma_start3A] : memref<2560x128xf32, #tpu.memory_space<hbm>> -> memref<4x128xf32, #tpu.memory_space<hbm>>
        %dma_start3A_274 = arith.constant 0 : i32
        %dma_start3A_275 = tpu.memref_slice %arg3[%multiple_of3A_9, %dma_start3A_274] : memref<2560x128xf32, #tpu.memory_space<hbm>> -> memref<4x128xf32, #tpu.memory_space<hbm>>
        tpu.enqueue_dma source(%dma_start3A_275 : memref<4x128xf32, #tpu.memory_space<hbm>>) target(%arg10 : memref<4x128xf32, #tpu.memory_space<vmem>>) target_semaphore(%run_scoped3A : memref<!tpu.dma_semaphore, #tpu.memory_space<semaphore_mem>>)
        %dma_wait3A = arith.constant 0 : i32
        %dma_wait3A_276 = tpu.memref_slice %arg3[%multiple_of3A_9, %dma_wait3A] : memref<2560x128xf32, #tpu.memory_space<hbm>> -> memref<4x128xf32, #tpu.memory_space<hbm>>
        %dma_wait3A_277 = arith.constant 0 : i32
        %dma_wait3A_278 = tpu.memref_slice %arg3[%multiple_of3A_9, %dma_wait3A_277] : memref<2560x128xf32, #tpu.memory_space<hbm>> -> memref<4x128xf32, #tpu.memory_space<hbm>>
        tpu.wait_dma2 semaphore(%run_scoped3A : memref<!tpu.dma_semaphore, #tpu.memory_space<semaphore_mem>>) src(%dma_wait3A_278 : memref<4x128xf32, #tpu.memory_space<hbm>>) dst(%arg10 : memref<4x128xf32, #tpu.memory_space<vmem>>)
        tpu.yield
      }) : () -> ()
    } else {
    }
    %barrier3A = arith.constant 0 : index
    tpu.barrier barrier_id(%barrier3A)
    %scan3A = arith.constant 0 : i32
    %scan3A_256 = arith.constant 0 : i32
    %scan3A_257 = arith.constant 72 : i32
    %scan3A_258 = arith.addi %scan3A_256, %scan3A_257 : i32
    %scan3A_259 = arith.constant 1 : i32
    scf.for %scan3A_273 = %scan3A_256 to %scan3A_258 step %scan3A_259  : i32 {
      "tpu.region"() ({
        %run_scoped3A = tpu.sem_alloc : memref<!tpu.dma_semaphore, #tpu.memory_space<semaphore_mem>>
        %dma_start3A = arith.constant 0 : i32
        %dma_start3A_274 = tpu.memref_slice %arg6[%scan3A_273, %dma_start3A] : memref<72x128xf32, #tpu.memory_space<vmem>> -> memref<1x128xf32, #tpu.memory_space<vmem>>
        %dma_start3A_275 = tpu.memref_squeeze %dma_start3A_274 : memref<1x128xf32, #tpu.memory_space<vmem>> -> memref<128xf32, #tpu.memory_space<vmem>>
        %dma_start3A_276 = arith.constant 0 : i32
        %dma_start3A_277 = tpu.memref_slice %arg5[%scan3A_273, %dma_start3A_276] : memref<72x128xi32, #tpu.memory_space<vmem>> -> memref<1x128xi32, #tpu.memory_space<vmem>>
        %dma_start3A_278 = tpu.memref_squeeze %dma_start3A_277 : memref<1x128xi32, #tpu.memory_space<vmem>> -> memref<128xi32, #tpu.memory_space<vmem>>
        %dma_start3A_279 = arith.constant 0 : i32
        %dma_start3A_280 = tpu.memref_slice %arg12[%dma_start3A_279] : memref<10240xf32, #tpu.memory_space<vmem_shared>> -> memref<10240xf32, #tpu.memory_space<vmem_shared>>
        tpu.enqueue_indirect_dma source(%dma_start3A_275 : memref<128xf32, #tpu.memory_space<vmem>>) target(%dma_start3A_280 : memref<10240xf32, #tpu.memory_space<vmem_shared>>) offsets(%dma_start3A_278 : memref<128xi32, #tpu.memory_space<vmem>>) semaphore(%run_scoped3A : memref<!tpu.dma_semaphore, #tpu.memory_space<semaphore_mem>>) {add = true}
        %dma_wait3A = arith.constant 0 : i32
        %dma_wait3A_281 = tpu.memref_slice %arg6[%scan3A_273, %dma_wait3A] : memref<72x128xf32, #tpu.memory_space<vmem>> -> memref<1x128xf32, #tpu.memory_space<vmem>>
        %dma_wait3A_282 = tpu.memref_squeeze %dma_wait3A_281 : memref<1x128xf32, #tpu.memory_space<vmem>> -> memref<128xf32, #tpu.memory_space<vmem>>
        %dma_wait3A_283 = arith.constant 0 : i32
        %dma_wait3A_284 = tpu.memref_slice %arg5[%scan3A_273, %dma_wait3A_283] : memref<72x128xi32, #tpu.memory_space<vmem>> -> memref<1x128xi32, #tpu.memory_space<vmem>>
        %dma_wait3A_285 = tpu.memref_squeeze %dma_wait3A_284 : memref<1x128xi32, #tpu.memory_space<vmem>> -> memref<128xi32, #tpu.memory_space<vmem>>
        %dma_wait3A_286 = arith.constant 0 : i32
        %dma_wait3A_287 = tpu.memref_slice %arg12[%dma_wait3A_286] : memref<10240xf32, #tpu.memory_space<vmem_shared>> -> memref<10240xf32, #tpu.memory_space<vmem_shared>>
        tpu.wait_indirect_dma semaphore(%run_scoped3A : memref<!tpu.dma_semaphore, #tpu.memory_space<semaphore_mem>>) src(%dma_wait3A_282 : memref<128xf32, #tpu.memory_space<vmem>>) dst(%dma_wait3A_287 : memref<10240xf32, #tpu.memory_space<vmem_shared>>)
        tpu.yield
      }) : () -> ()
    }
    %scan3A_260 = arith.constant 72 : i32
    %convert_element_type3A_261 = arith.extui %lt3A_10 : i1 to i32
    %cond3A_262 = arith.constant 0 : i32
    %cond3A_263 = arith.cmpi ne, %convert_element_type3A_261, %cond3A_262 : i32
    scf.if %cond3A_263 {
      %scan3A_273 = arith.constant 0 : i32
      %scan3A_274 = arith.constant 0 : i32
      %scan3A_275 = arith.constant 8 : i32
      %scan3A_276 = arith.addi %scan3A_274, %scan3A_275 : i32
      %scan3A_277 = arith.constant 1 : i32
      scf.for %scan3A_279 = %scan3A_274 to %scan3A_276 step %scan3A_277  : i32 {
        "tpu.region"() ({
          %run_scoped3A = tpu.sem_alloc : memref<!tpu.dma_semaphore, #tpu.memory_space<semaphore_mem>>
          %dma_start3A = arith.constant 0 : i32
          %dma_start3A_280 = tpu.memref_slice %arg8[%scan3A_279, %dma_start3A] : memref<8x128xf32, #tpu.memory_space<vmem>> -> memref<1x128xf32, #tpu.memory_space<vmem>>
          %dma_start3A_281 = tpu.memref_squeeze %dma_start3A_280 : memref<1x128xf32, #tpu.memory_space<vmem>> -> memref<128xf32, #tpu.memory_space<vmem>>
          %dma_start3A_282 = arith.constant 0 : i32
          %dma_start3A_283 = tpu.memref_slice %arg7[%scan3A_279, %dma_start3A_282] : memref<8x128xi32, #tpu.memory_space<vmem>> -> memref<1x128xi32, #tpu.memory_space<vmem>>
          %dma_start3A_284 = tpu.memref_squeeze %dma_start3A_283 : memref<1x128xi32, #tpu.memory_space<vmem>> -> memref<128xi32, #tpu.memory_space<vmem>>
          %dma_start3A_285 = arith.constant 0 : i32
          %dma_start3A_286 = tpu.memref_slice %arg12[%dma_start3A_285] : memref<10240xf32, #tpu.memory_space<vmem_shared>> -> memref<10240xf32, #tpu.memory_space<vmem_shared>>
          tpu.enqueue_indirect_dma source(%dma_start3A_281 : memref<128xf32, #tpu.memory_space<vmem>>) target(%dma_start3A_286 : memref<10240xf32, #tpu.memory_space<vmem_shared>>) offsets(%dma_start3A_284 : memref<128xi32, #tpu.memory_space<vmem>>) semaphore(%run_scoped3A : memref<!tpu.dma_semaphore, #tpu.memory_space<semaphore_mem>>) {add = true}
          %dma_wait3A = arith.constant 0 : i32
          %dma_wait3A_287 = tpu.memref_slice %arg8[%scan3A_279, %dma_wait3A] : memref<8x128xf32, #tpu.memory_space<vmem>> -> memref<1x128xf32, #tpu.memory_space<vmem>>
          %dma_wait3A_288 = tpu.memref_squeeze %dma_wait3A_287 : memref<1x128xf32, #tpu.memory_space<vmem>> -> memref<128xf32, #tpu.memory_space<vmem>>
          %dma_wait3A_289 = arith.constant 0 : i32
          %dma_wait3A_290 = tpu.memref_slice %arg7[%scan3A_279, %dma_wait3A_289] : memref<8x128xi32, #tpu.memory_space<vmem>> -> memref<1x128xi32, #tpu.memory_space<vmem>>
          %dma_wait3A_291 = tpu.memref_squeeze %dma_wait3A_290 : memref<1x128xi32, #tpu.memory_space<vmem>> -> memref<128xi32, #tpu.memory_space<vmem>>
          %dma_wait3A_292 = arith.constant 0 : i32
          %dma_wait3A_293 = tpu.memref_slice %arg12[%dma_wait3A_292] : memref<10240xf32, #tpu.memory_space<vmem_shared>> -> memref<10240xf32, #tpu.memory_space<vmem_shared>>
          tpu.wait_indirect_dma semaphore(%run_scoped3A : memref<!tpu.dma_semaphore, #tpu.memory_space<semaphore_mem>>) src(%dma_wait3A_288 : memref<128xf32, #tpu.memory_space<vmem>>) dst(%dma_wait3A_293 : memref<10240xf32, #tpu.memory_space<vmem_shared>>)
          tpu.yield
        }) : () -> ()
      }
      %scan3A_278 = arith.constant 8 : i32
    } else {
    }
    %convert_element_type3A_264 = arith.extui %eq3A_11 : i1 to i32
    %cond3A_265 = arith.constant 0 : i32
    %cond3A_266 = arith.cmpi ne, %convert_element_type3A_264, %cond3A_265 : i32
    scf.if %cond3A_266 {
      %scan3A_273 = arith.constant 0 : i32
      %scan3A_274 = arith.constant 0 : i32
      %scan3A_275 = arith.constant 4 : i32
      %scan3A_276 = arith.addi %scan3A_274, %scan3A_275 : i32
      %scan3A_277 = arith.constant 1 : i32
      scf.for %scan3A_279 = %scan3A_274 to %scan3A_276 step %scan3A_277  : i32 {
        "tpu.region"() ({
          %run_scoped3A = tpu.sem_alloc : memref<!tpu.dma_semaphore, #tpu.memory_space<semaphore_mem>>
          %dma_start3A = arith.constant 0 : i32
          %dma_start3A_280 = tpu.memref_slice %arg10[%scan3A_279, %dma_start3A] : memref<4x128xf32, #tpu.memory_space<vmem>> -> memref<1x128xf32, #tpu.memory_space<vmem>>
          %dma_start3A_281 = tpu.memref_squeeze %dma_start3A_280 : memref<1x128xf32, #tpu.memory_space<vmem>> -> memref<128xf32, #tpu.memory_space<vmem>>
          %dma_start3A_282 = arith.constant 0 : i32
          %dma_start3A_283 = tpu.memref_slice %arg9[%scan3A_279, %dma_start3A_282] : memref<4x128xi32, #tpu.memory_space<vmem>> -> memref<1x128xi32, #tpu.memory_space<vmem>>
          %dma_start3A_284 = tpu.memref_squeeze %dma_start3A_283 : memref<1x128xi32, #tpu.memory_space<vmem>> -> memref<128xi32, #tpu.memory_space<vmem>>
          %dma_start3A_285 = arith.constant 0 : i32
          %dma_start3A_286 = tpu.memref_slice %arg12[%dma_start3A_285] : memref<10240xf32, #tpu.memory_space<vmem_shared>> -> memref<10240xf32, #tpu.memory_space<vmem_shared>>
          tpu.enqueue_indirect_dma source(%dma_start3A_281 : memref<128xf32, #tpu.memory_space<vmem>>) target(%dma_start3A_286 : memref<10240xf32, #tpu.memory_space<vmem_shared>>) offsets(%dma_start3A_284 : memref<128xi32, #tpu.memory_space<vmem>>) semaphore(%run_scoped3A : memref<!tpu.dma_semaphore, #tpu.memory_space<semaphore_mem>>) {add = true}
          %dma_wait3A = arith.constant 0 : i32
          %dma_wait3A_287 = tpu.memref_slice %arg10[%scan3A_279, %dma_wait3A] : memref<4x128xf32, #tpu.memory_space<vmem>> -> memref<1x128xf32, #tpu.memory_space<vmem>>
          %dma_wait3A_288 = tpu.memref_squeeze %dma_wait3A_287 : memref<1x128xf32, #tpu.memory_space<vmem>> -> memref<128xf32, #tpu.memory_space<vmem>>
          %dma_wait3A_289 = arith.constant 0 : i32
          %dma_wait3A_290 = tpu.memref_slice %arg9[%scan3A_279, %dma_wait3A_289] : memref<4x128xi32, #tpu.memory_space<vmem>> -> memref<1x128xi32, #tpu.memory_space<vmem>>
          %dma_wait3A_291 = tpu.memref_squeeze %dma_wait3A_290 : memref<1x128xi32, #tpu.memory_space<vmem>> -> memref<128xi32, #tpu.memory_space<vmem>>
          %dma_wait3A_292 = arith.constant 0 : i32
          %dma_wait3A_293 = tpu.memref_slice %arg12[%dma_wait3A_292] : memref<10240xf32, #tpu.memory_space<vmem_shared>> -> memref<10240xf32, #tpu.memory_space<vmem_shared>>
          tpu.wait_indirect_dma semaphore(%run_scoped3A : memref<!tpu.dma_semaphore, #tpu.memory_space<semaphore_mem>>) src(%dma_wait3A_288 : memref<128xf32, #tpu.memory_space<vmem>>) dst(%dma_wait3A_293 : memref<10240xf32, #tpu.memory_space<vmem_shared>>)
          tpu.yield
        }) : () -> ()
      }
      %scan3A_278 = arith.constant 4 : i32
    } else {
    }
    %barrier3A_267 = arith.constant 0 : index
    tpu.barrier barrier_id(%barrier3A_267)
    %eq3A_268 = arith.constant 0 : i32
    %eq3A_269 = arith.cmpi eq, %arg1, %eq3A_268 : i32
    %convert_element_type3A_270 = arith.extui %eq3A_269 : i1 to i32
    %cond3A_271 = arith.constant 0 : i32
    %cond3A_272 = arith.cmpi ne, %convert_element_type3A_270, %cond3A_271 : i32
    scf.if %cond3A_272 {
      "tpu.region"() ({
        %run_scoped3A = tpu.sem_alloc : memref<!tpu.dma_semaphore, #tpu.memory_space<semaphore_mem>>
        %dma_start3A = arith.constant 0 : i32
        %dma_start3A_273 = tpu.memref_slice %arg4[%arg0, %dma_start3A] : memref<2x10240xf32, #tpu.memory_space<hbm>> -> memref<1x10240xf32, #tpu.memory_space<hbm>>
        %dma_start3A_274 = tpu.memref_squeeze %dma_start3A_273 : memref<1x10240xf32, #tpu.memory_space<hbm>> -> memref<10240xf32, #tpu.memory_space<hbm>>
        tpu.enqueue_dma source(%arg12 : memref<10240xf32, #tpu.memory_space<vmem_shared>>) target(%dma_start3A_274 : memref<10240xf32, #tpu.memory_space<hbm>>) target_semaphore(%run_scoped3A : memref<!tpu.dma_semaphore, #tpu.memory_space<semaphore_mem>>)
        %dma_wait3A = arith.constant 0 : i32
        %dma_wait3A_275 = tpu.memref_slice %arg4[%arg0, %dma_wait3A] : memref<2x10240xf32, #tpu.memory_space<hbm>> -> memref<1x10240xf32, #tpu.memory_space<hbm>>
        %dma_wait3A_276 = tpu.memref_squeeze %dma_wait3A_275 : memref<1x10240xf32, #tpu.memory_space<hbm>> -> memref<10240xf32, #tpu.memory_space<hbm>>
        tpu.wait_dma2 semaphore(%run_scoped3A : memref<!tpu.dma_semaphore, #tpu.memory_space<semaphore_mem>>) src(%arg12 : memref<10240xf32, #tpu.memory_space<vmem_shared>>) dst(%dma_wait3A_276 : memref<10240xf32, #tpu.memory_space<hbm>>)
        tpu.yield
      }) : () -> ()
    } else {
    }
    return
  }
}

module attributes {stable_mosaic.version = 14 : i64} {
  func.func @_msg_kernel(%arg0: i32, %arg1: memref<16384x16xf32, #tpu.memory_space<vmem>>, %arg2: memref<1x16xf32, #tpu.memory_space<vmem>>, %arg3: memref<3xf32, #tpu.memory_space<smem>>, %arg4: memref<128x128xf32, #tpu.memory_space<vmem>>) attributes {dimension_semantics = [#tpu.dimension_semantics<arbitrary>], iteration_bounds = array<i64: 20>, scalar_prefetch = 0 : i64, scratch_operands = 0 : i64, tpu.core_type = #tpu.core_type<tc>, window_params = [{transform_indices = @transform_0, window_bounds = array<i64: 16384, 16>}, {pipeline_mode = #tpu.pipeline_mode<synchronous>, transform_indices = @transform_1, window_bounds = array<i64: 1, 16>}, {transform_indices = @transform_2, window_bounds = array<i64: 3>}, {transform_indices = @transform_3, window_bounds = array<i64: 128, 128>}]} {
    %get3A = arith.constant 0 : index
    %get3A_0 = arith.constant 0 : index
    %get3A_1 = vector.load %arg1[%get3A, %get3A_0] : memref<16384x16xf32, #tpu.memory_space<vmem>>, vector<16384x16xf32>
    %get3A_2 = arith.constant 0 : index
    %get3A_3 = arith.constant 0 : index
    %get3A_4 = vector.load %arg2[%get3A_2, %get3A_3] : memref<1x16xf32, #tpu.memory_space<vmem>>, vector<1x16xf32>
    %mul3A = vector.broadcast %get3A_4 : vector<1x16xf32> to vector<16384x16xf32>
    %mul3A_5 = arith.mulf %get3A_1, %mul3A : vector<16384x16xf32>
    %reduce_sum3A = arith.constant dense<0.000000e+00> : vector<16384xf32>
    %reduce_sum3A_6 = vector.multi_reduction <add>, %mul3A_5, %reduce_sum3A [1] : vector<16384x16xf32> to vector<16384xf32>
    %get3A_7 = arith.constant 2 : index
    %get3A_8 = memref.load %arg3[%get3A_7] : memref<3xf32, #tpu.memory_space<smem>>
    %add3A = vector.broadcast %get3A_8 : f32 to vector<16384xf32>
    %add3A_9 = arith.addf %reduce_sum3A_6, %add3A : vector<16384xf32>
    %reshape3A = vector.shape_cast %add3A_9 : vector<16384xf32> to vector<128x128xf32>
    %swap3A = arith.constant 0 : index
    %swap3A_10 = arith.constant 0 : index
    %swap3A_11 = vector.load %arg4[%swap3A, %swap3A_10] : memref<128x128xf32, #tpu.memory_space<vmem>>, vector<128x128xf32>
    tpu.vector_store %arg4[%swap3A, %swap3A_10], %reshape3A {strides = array<i32>} : memref<128x128xf32, #tpu.memory_space<vmem>>, vector<128x128xf32>,
    return
  }
  func.func @transform_0(%arg0: i32) -> (i32, i32) {
    %c0_i32 = arith.constant 0 : i32
    %c0_i32_0 = arith.constant 0 : i32
    return %arg0, %c0_i32 : i32, i32
  }
  func.func @transform_1(%arg0: i32) -> (i32, i32) {
    %c0_i32 = arith.constant 0 : i32
    %c0_i32_0 = arith.constant 0 : i32
    %c0_i32_1 = arith.constant 0 : i32
    return %c0_i32, %c0_i32_0 : i32, i32
  }
  func.func @transform_2(%arg0: i32) -> i32 {
    %c0_i32 = arith.constant 0 : i32
    %c0_i32_0 = arith.constant 0 : i32
    return %c0_i32 : i32
  }
  func.func @transform_3(%arg0: i32) -> (i32, i32) {
    %c0_i32 = arith.constant 0 : i32
    %c0_i32_0 = arith.constant 0 : i32
    return %arg0, %c0_i32 : i32, i32
  }
}

module attributes {stable_mosaic.version = 14 : i64} {
  func.func @_upd_kernel(%arg0: i32, %arg1: memref<1000x128xf32, #tpu.memory_space<vmem>>, %arg2: memref<1000x1xf32, #tpu.memory_space<vmem>>, %arg3: memref<1000x1xf32, #tpu.memory_space<vmem>>, %arg4: memref<1x128xf32, #tpu.memory_space<vmem>>, %arg5: memref<3xf32, #tpu.memory_space<smem>>, %arg6: memref<1000x1xf32, #tpu.memory_space<vmem>>) attributes {dimension_semantics = [#tpu.dimension_semantics<arbitrary>], iteration_bounds = array<i64: 10>, scalar_prefetch = 0 : i64, scratch_operands = 0 : i64, tpu.core_type = #tpu.core_type<tc>, window_params = [{transform_indices = @transform_0, window_bounds = array<i64: 1000, 128>}, {transform_indices = @transform_1, window_bounds = array<i64: 1000, 1>}, {transform_indices = @transform_2, window_bounds = array<i64: 1000, 1>}, {pipeline_mode = #tpu.pipeline_mode<synchronous>, transform_indices = @transform_3, window_bounds = array<i64: 1, 128>}, {transform_indices = @transform_4, window_bounds = array<i64: 3>}, {transform_indices = @transform_5, window_bounds = array<i64: 1000, 1>}]} {
    %get3A = arith.constant 0 : index
    %get3A_0 = arith.constant 0 : index
    %get3A_1 = vector.load %arg1[%get3A, %get3A_0] : memref<1000x128xf32, #tpu.memory_space<vmem>>, vector<1000x128xf32>
    %get3A_2 = arith.constant 0 : index
    %get3A_3 = arith.constant 0 : index
    %get3A_4 = vector.load %arg4[%get3A_2, %get3A_3] : memref<1x128xf32, #tpu.memory_space<vmem>>, vector<1x128xf32>
    %mul3A = vector.broadcast %get3A_4 : vector<1x128xf32> to vector<1000x128xf32>
    %mul3A_5 = arith.mulf %get3A_1, %mul3A : vector<1000x128xf32>
    %reduce_sum3A = arith.constant dense<0.000000e+00> : vector<1000xf32>
    %reduce_sum3A_6 = vector.multi_reduction <add>, %mul3A_5, %reduce_sum3A [1] : vector<1000x128xf32> to vector<1000xf32>
    %broadcast_in_dim3A = vector.shape_cast %reduce_sum3A_6 : vector<1000xf32> to vector<1000x1xf32>
    %get3A_7 = arith.constant 0 : index
    %get3A_8 = arith.constant 0 : index
    %get3A_9 = vector.load %arg2[%get3A_7, %get3A_8] : memref<1000x1xf32, #tpu.memory_space<vmem>>, vector<1000x1xf32>
    %get3A_10 = arith.constant 0 : index
    %get3A_11 = arith.constant 0 : index
    %get3A_12 = vector.load %arg3[%get3A_10, %get3A_11] : memref<1000x1xf32, #tpu.memory_space<vmem>>, vector<1000x1xf32>
    %add3A = arith.addf %get3A_9, %get3A_12 : vector<1000x1xf32>
    %slice3A = vector.extract_strided_slice %get3A_1 {offsets = [0, 0], sizes = [1000, 1], strides = [1, 1]} : vector<1000x128xf32> to vector<1000x1xf32>
    %add3A_13 = arith.addf %slice3A, %broadcast_in_dim3A : vector<1000x1xf32>
    %slice3A_14 = vector.extract_strided_slice %get3A_1 {offsets = [0, 3], sizes = [1000, 1], strides = [1, 1]} : vector<1000x128xf32> to vector<1000x1xf32>
    %mul3A_15 = arith.mulf %add3A, %slice3A_14 : vector<1000x1xf32>
    %get3A_16 = arith.constant 0 : index
    %get3A_17 = memref.load %arg5[%get3A_16] : memref<3xf32, #tpu.memory_space<smem>>
    %mul3A_18 = vector.broadcast %get3A_17 : f32 to vector<1000x1xf32>
    %mul3A_19 = arith.mulf %mul3A_15, %mul3A_18 : vector<1000x1xf32>
    %add3A_20 = arith.addf %add3A_13, %mul3A_19 : vector<1000x1xf32>
    %get3A_21 = arith.constant 1 : index
    %get3A_22 = memref.load %arg5[%get3A_21] : memref<3xf32, #tpu.memory_space<smem>>
    %add3A_23 = vector.broadcast %get3A_22 : f32 to vector<1000x1xf32>
    %add3A_24 = arith.addf %add3A_20, %add3A_23 : vector<1000x1xf32>
    %swap3A = arith.constant 0 : index
    %swap3A_25 = arith.constant 0 : index
    %swap3A_26 = vector.load %arg6[%swap3A, %swap3A_25] : memref<1000x1xf32, #tpu.memory_space<vmem>>, vector<1000x1xf32>
    tpu.vector_store %arg6[%swap3A, %swap3A_25], %add3A_24 {strides = array<i32>} : memref<1000x1xf32, #tpu.memory_space<vmem>>, vector<1000x1xf32>,
    return
  }
  func.func @transform_0(%arg0: i32) -> (i32, i32) {
    %c0_i32 = arith.constant 0 : i32
    %c0_i32_0 = arith.constant 0 : i32
    return %arg0, %c0_i32 : i32, i32
  }
  func.func @transform_1(%arg0: i32) -> (i32, i32) {
    %c0_i32 = arith.constant 0 : i32
    %c0_i32_0 = arith.constant 0 : i32
    return %arg0, %c0_i32 : i32, i32
  }
  func.func @transform_2(%arg0: i32) -> (i32, i32) {
    %c0_i32 = arith.constant 0 : i32
    %c0_i32_0 = arith.constant 0 : i32
    return %arg0, %c0_i32 : i32, i32
  }
  func.func @transform_3(%arg0: i32) -> (i32, i32) {
    %c0_i32 = arith.constant 0 : i32
    %c0_i32_0 = arith.constant 0 : i32
    %c0_i32_1 = arith.constant 0 : i32
    return %c0_i32, %c0_i32_0 : i32, i32
  }
  func.func @transform_4(%arg0: i32) -> i32 {
    %c0_i32 = arith.constant 0 : i32
    %c0_i32_0 = arith.constant 0 : i32
    return %c0_i32 : i32
  }
  func.func @transform_5(%arg0: i32) -> (i32, i32) {
    %c0_i32 = arith.constant 0 : i32
    %c0_i32_0 = arith.constant 0 : i32
    return %arg0, %c0_i32 : i32, i32
  }
}

</mosaic_0001>

<sc_bundles>
// kernel: kernel.5.cloned.1.call-start
scs
__scs_entry_jumppad:
0x0: {  	(pc) =	sbr.rel $0x88, $3  }
0x1: {  	(tag) =	ssettag $0x0;
	lr =	simm.s32 $0x1  }
0x2: {  	[smem:$0x3F9A] =	sst lr;
	_ =	strace $0xD0000000  }
0x3: {  	_ = 	snop  }
0x4: {  	_ = 	snop  }
0x5: {  	_ = 	snop  }
0x6: {  	_ = 	snop  }
0x7: {  	_ = 	snop  }
__scs_overlays_trampoline_lowered:
0x8: {  	[smem:$0x3FA9] =	sst s0  }
0x9: {  	[smem:$0x3FAA] =	sst s1  }
0xa: {  	[smem:$0x3FAB] =	sst s2  }
0xb: {  	[smem:$0x3FAC] =	sst s3  }
0xc: {  	[smem:$0x3FAD] =	sst s4  }
0xd: {  	[smem:$0x3FAE] =	sst s5  }
0xe: {  	[smem:$0x3FAF] =	sst s6  }
0xf: {  	[smem:$0x3FB0] =	sst s7  }
0x10: {  	[smem:$0x3FB1] =	sst s8  }
0x11: {  	[smem:$0x3FB2] =	sst s9;
	s0 =	simm.s32 @!p0 $0x0  }
0x12: {  	s1 =	sld [smem:$0x3F98];
	s0 =	simm.s32 @p0 $0x1  }
0x13: {  	[smem:$0x3FB3] =	sst s0;
	s0 =	simm.s32 @!p1 $0x0  }
0x14: {  	s2 =	sld [smem:$0x3F97];
	s0 =	simm.s32 @p1 $0x1  }
0x15: {  	[smem:$0x3FB4] =	sst s0;
	s0 =	simm.s32 @!p2 $0x0  }
0x16: {  	s3 =	sld [smem:$0x3FDB];
	s0 =	simm.s32 @p2 $0x1  }
0x17: {  	s4 =	simm.s32 $0x1BF5;
	[smem:$0x3FB6] =	sst s0  }
0x18: {  	s0 =	sld [smem:$0x3F99];
	_ =	swait.ge [sflag:s4], $0x0  }
0x19: {  	s7 =	sld [smem:$0x3F9A]  }
0x1a: {  	s8 =	sadd.s32 $0xFFFFE003, lr  }
0x1b: {  	s9 =	sadd.s32 $0xFFFFFEF7, lr;
	s5 =	simm.s32 $0xFFFFFFFF;
	p2 =	slt.u32 s8, $0xFFFFF086  }
0x1c: {  	p1 =	slt.u32 s9, $0xF7A;
	s5 =	simm.s32 @!p2 $0x0  }
0x1d: {  	s5 =	simm.s32 @p1 $0x1;
	p0 =	seq.s32 s7, s2  }
0x1e: {  	s7 =	smul.u32 @!p0 $0xF7A, s2;
	p2 =	seq.s32 @!p0 s5, $0x0  }
0x1f: {  	s9 =	smul.u32 $0xF7A, s1;
	s8 =	simm.s32 @!p0 $0x1BF5;
	p2 =	por !p2, p0  }
0x20: {  	[sflag:s8] =	ssyncset.s32 @!p0 $0xFFFFF086;
	s6 =	sadd.s32 @!p0 s3, s7;
	s7 =	simm.s32 @!p0 $0x108  }
0x21: {  	s3 =	sadd.s32 s3, s9;
	s6 =	sadd.s32 @!p0 $0x88, s6;
	s7 =	simm.s32 @p2 $0x1082  }
0x22: {  	[simem:s7], [sflag:s8] =	dma.local @!p0 [hbm:s6], $0xF7A  }
0x23: {  	s9 =	sor.u32 $0xD0000000, s2;
	s6 =	simm.s32 $0x108;
	_ =	swait.ge @!p0 [sflag:s8], $0x0  }
0x24: {  	s3 =	sadd.s32 $0x88, s3;
	s6 =	simm.s32 @!p1 $0x1082;
	[sflag:s4] =	ssyncset.s32 $0xFFFFF086  }
0x25: {  	[simem:s6], [sflag:s4] =	dma.local [hbm:s3], $0xF7A  }
0x26: {  	[smem:$0x3F9A] =	sst s1;
	(tag) =	ssettag s2;
	_ =	strace s9  }
0x27: {  	s1 =	sld [smem:$0x3FAA]  }
0x28: {  	s2 =	sld [smem:$0x3FAB]  }
0x29: {  	s4 =	sld [smem:$0x3FAD]  }
0x2a: {  	p0 =	seq.s32 s5, $0x0;
	s5 =	sld [smem:$0x3FAE]  }
0x2b: {  	s6 =	sld [smem:$0x3FAF]  }
0x2c: {  	s7 =	sld [smem:$0x3FB0]  }
0x2d: {  	s3 =	simm.s32 $0x108;
	s8 =	sld [smem:$0x3FB1]  }
0x2e: {  	s3 =	simm.s32 @!p0 $0x1082;
	s9 =	sld [smem:$0x3FB2]  }
0x2f: {  	lr =	sadd.s32 s0, s3;
	s0 =	sld [smem:$0x3FA9]  }
0x30: {  	s3 =	sld [smem:$0x3FAC]  }
0x31: {  	[smem:$0x3FB5] =	sst s10  }
0x32: {  	s10 =	sld [smem:$0x3FB3];
	_ =	sdelay $0x3  }
0x33: {  	p0 =	seq.s32 s10, $0x1;
	s10 =	sld [smem:$0x3FB5];
	_ =	sdelay $0x3  }
0x34: {  	[smem:$0x3FB5] =	sst s10  }
0x35: {  	s10 =	sld [smem:$0x3FB4];
	_ =	sdelay $0x3  }
0x36: {  	p1 =	seq.s32 s10, $0x1;
	s10 =	sld [smem:$0x3FB5];
	_ =	sdelay $0x3  }
0x37: {  	[smem:$0x3FB5] =	sst s10  }
0x38: {  	s10 =	sld [smem:$0x3FB6]  }
0x39: {  	_ = 	snop;
	(pc) =	sbr.ind lr, $3  }
0x3a: {  	_ = 	snop  }
0x3b: {  	_ = 	snop  }
0x3c: {  	p2 =	seq.s32 s10, $0x1;
	s10 =	sld [smem:$0x3FB5]  }
0x3d: {  	_ =	shalt  }
0x3e: {  	_ =	shalt  }
0x3f: {  	_ =	shalt  }
0x40: {  	_ =	shalt  }
0x41: {  	_ =	shalt  }
0x42: {  	_ =	shalt  }
0x43: {  	_ =	shalt  }
0x44: {  	_ =	shalt  }
0x45: {  	_ =	shalt  }
0x46: {  	_ =	shalt  }
0x47: {  	_ =	shalt  }
0x48: {  	_ =	shalt  }
0x49: {  	_ =	shalt  }
0x4a: {  	_ =	shalt  }
0x4b: {  	_ =	shalt  }
0x4c: {  	_ =	shalt  }
0x4d: {  	_ =	shalt  }
0x4e: {  	_ =	shalt  }
0x4f: {  	_ =	shalt  }
0x50: {  	_ =	shalt  }
0x51: {  	_ =	shalt  }
0x52: {  	_ =	shalt  }
0x53: {  	_ =	shalt  }
0x54: {  	_ =	shalt  }
0x55: {  	_ =	shalt  }
0x56: {  	_ =	shalt  }
0x57: {  	_ =	shalt  }
0x58: {  	_ =	shalt  }
0x59: {  	_ =	shalt  }
0x5a: {  	_ =	shalt  }
0x5b: {  	_ =	shalt  }
0x5c: {  	_ =	shalt  }
0x5d: {  	_ =	shalt  }
0x5e: {  	_ =	shalt  }
0x5f: {  	_ =	shalt  }
0x60: {  	_ =	shalt  }
0x61: {  	_ =	shalt  }
0x62: {  	_ =	shalt  }
0x63: {  	_ =	shalt  }
0x64: {  	_ =	shalt  }
0x65: {  	_ =	shalt  }
0x66: {  	_ =	shalt  }
0x67: {  	_ =	shalt  }
0x68: {  	_ =	shalt  }
0x69: {  	_ =	shalt  }
0x6a: {  	_ =	shalt  }
0x6b: {  	_ =	shalt  }
0x6c: {  	_ =	shalt  }
0x6d: {  	_ =	shalt  }
0x6e: {  	_ =	shalt  }
0x6f: {  	_ =	shalt  }
0x70: {  	_ =	shalt  }
0x71: {  	_ =	shalt  }
0x72: {  	_ =	shalt  }
0x73: {  	_ =	shalt  }
0x74: {  	_ =	shalt  }
0x75: {  	_ =	shalt  }
0x76: {  	_ =	shalt  }
0x77: {  	_ =	shalt  }
0x78: {  	_ =	shalt  }
0x79: {  	_ =	shalt  }
0x7a: {  	_ =	shalt  }
0x7b: {  	_ =	shalt  }
0x7c: {  	_ =	shalt  }
0x7d: {  	_ =	shalt  }
0x7e: {  	_ =	shalt  }
0x7f: {  	_ =	shalt  }
0x80: {  	_ =	shalt  }
0x81: {  	_ =	shalt  }
0x82: {  	_ =	shalt  }
0x83: {  	_ =	shalt  }
0x84: {  	_ =	shalt  }
0x85: {  	_ =	shalt  }
0x86: {  	_ =	shalt  }
0x87: {  	_ =	shalt  }
.Lfunc_end0:
.L_simem_size_0:
called_computation_lowered:
.L_overlay_start_0:
0x88: {  	s2 =	sld [smem:$0x3FD9]  }
0x89: {  	s3 =	sld [smem:$0x3FFE];
	_ =	sdelay $0x1  }
0x8a: {  	s1 =	srdreg.scid  }
0x8b: {  	s0 =	sand.u32 $0x1, s1  }
0x8c: {  	s16 =	sshll.u32 s0, $0xA;
	s2 =	sadd.s32 s3, s2  }
0x8d: {  	s2 =	sadd.s32 s2, s16  }
0x8e: {  	[smem:$0x3FC1] =	sst s2  }
0x8f: {  	_ = 	snop  }
0x90: {  	(tm) =	ssettm $0x1  }
0x91: {  	s17 =	sld [smem:$0x3FFB];
	_ =	sdelay $0x3  }
0x92: {  	_ =	strace s17  }
0x93: {  	s2 =	sld [smem:$0x3FFC];
	_ =	sdelay $0x3  }
0x94: {  	_ =	strace s2  }
0x95: {  	s2 =	sld [smem:$0x3FFD];
	_ =	sdelay $0x3  }
0x96: {  	_ =	strace s2  }
0x97: {  	_ =	strace $0x8FFFFFFF  }
0x98: {  	s18 =	sld [smem:$0x3FDB];
	_ =	sdelay $0x1  }
0x99: {  	s19 =	simm.s32 $_scs_section_size  }
0x9a: {  	s4 =	simm.s32 $_size__tile_overlayer_lowered;
	s5 =	simm.s32 $_tile_overlayer_lowered  }
0x9b: {  	s22 =	simm.s32 $0x1BFF;
	s21 =	sshll.u32 s5, $0x1;
	s2 =	sadd.s32 s19, s18  }
0x9c: {  	s6 =	simm.s32 $0x0;
	s20 =	sshll.u32 s4, $0x1;
	s4 =	sadd.s32 s21, s2  }
0x9d: {  	[timem:s6], [sflag:s22] =	dma.local [hbm:s4], s20  }
0x9e: {  	_ =	swait.ge [sflag:s22], s20  }
0x9f: {  	s3 =	ssub.s32 $0x0, s20;
	[sflag:s22] =	ssyncset.done $0x0  }
0xa0: {  	[sflag:s22] =	ssyncadd.s32 s3;
	_ =	sdelay $0x1  }
0xa1: {  	s23 =	simm.s32 $0x1B8B  }
0xa2: {  	_ =	swait.ge [sflag:s23], $0x1  }
0xa3: {  	[sflag:s23] =	ssyncset.done $0x0  }
0xa4: {  	s25 =	simm.s32 $0x1B8E;
	s24 =	sld [smem:$0x3FFE];
	[sflag:s23] =	ssyncadd.s32 $0xFFFFFFFF  }
0xa5: {  	s26 =	simm.s32 $execute0_lowered;
	[smem:$0x3FD2] =	sst s25  }
0xa6: {  	s4 =	sshll.u32 s26, $0x1;
	_ =	strace $0x80000046;
	[dreg:$0x1] =	wrdreg $0xFFFFFFFF  }
0xa7: {  	s28 =	simm.s32 $_size_execute0_lowered;
	s2 =	sadd.s32 s2, s4;
	[dreg:$0x0] =	wrdreg $0x0  }
0xa8: {  	s4 =	sshll.u32 s28, $0x1;
	[dreg:$0x2] =	wrdreg s2  }
0xa9: {  	[dreg:$0x3] =	wrdreg s4  }
0xaa: {  	[dreg:$0x4] =	wrdreg $0xC0  }
0xab: {  	_ =	task [dreg:s6], $0x5FFFF  }
0xac: {  	[dreg:$0x1] =	wrdreg $0xFFFFFFFF  }
0xad: {  	[dreg:$0x0] =	wrdreg $0x60  }
0xae: {  	[dreg:$0x2] =	wrdreg s24  }
0xaf: {  	[dreg:$0x3] =	wrdreg $0x56800  }
0xb0: {  	[dreg:$0x4] =	wrdreg $0x9  }
0xb1: {  	_ =	task.clear_ibuf [dreg:s6], $0x5FFFF;
	_ =	strace $0x90000046  }
0xb2: {  	s29 =	simm.s32 $0x9;
	_ =	strace $0x80000048  }
0xb3: {  	_ =	swait.ge [sflag:s29], $0x1  }
0xb4: {  	[sflag:s29] =	ssyncadd.s32 $0xFFFFFFFF  }
0xb5: {  	_ =	strace $0x90000048  }
0xb6: {  	_ =	sfence  }
0xb7: {  	s30 =	sld [smem:$0x0];
	_ =	sdelay $0x2  }
0xb8: {  	s31 =	sshll.u32 s1, $0xD;
	s1 =	sshrl.u32 s1, $0x2  }
0xb9: {  	s3 =	sand.u32 $0x4000, s31;
	s1 =	sadd.s32 s1, s30  }
0xba: {  	s0 =	sor.u32 s3, s0;
	s1 =	sshll.u32 s1, $0x11  }
0xbb: {  	s0 =	sor.u32 s1, s0  }
0xbc: {  	s0 =	sadd.s32 $0x8F2B, s0  }
0xbd: {  	[sflag:s0] =	ssyncadd.remote.s32 $0x1  }
0xbe: {  	_ =	sfence.sel $0xFFFF  }
0xbf: {  	[dreg:$0x0] =	wrdreg $0xFFFFFFFF;
	(pc) =	sbr.abs _section_cstart, $3  }
0xc0: {  	[dreg:$0x1] =	wrdreg $0xFFFFFFFF  }
0xc1: {  	_ =	task.clear_ibuf [dreg:s6], $0x2FFFF;
	_ =	strace $0x9FFFFFFF  }
0xc2: {  	(tm) =	ssettm $0x7FFFFFFF  }
0xc3: {  	_ =	shalt  }
tec
execute0_lowered:
.L_overlay_start_1:
0x0: {  	(tag) =	ssettag $0x1  }
0x1: {  	s0 =	rddreg [dreg:$0x0]  }
0x2: {  	s1 =	rddreg [dreg:$0x1]  }
0x3: {  	s2 =	simm.s32 $0x0;
	s3 =	srdreg.scid;
	s16 =	stileid.u32  }
0x4: {  	s13 =	simm.s32 $0x1;
	s14 =	simm.s32 $0x2400;
	s15 =	simm.s32 $0x80  }
0x5: {  	s22 =	simm.s32 $0x4980;
	s23 =	simm.s32 $0x4D80;
	s24 =	simm.s32 $0x4A00  }
0x6: {  	s28 =	simm.s32 $0x4E80;
	s29 =	simm.s32 $0x4B00;
	s30 =	simm.s32 $0x4F00  }
0x7: {  	s31 =	simm.s32 $0x4B80;
	[smem:$0x7FF] =	sst s2;
	s3 =	sand.u32 $0x1, s3  }
0x8: {  	s8 =	sadd.s32 $0x4E3200, s0;
	s5 =	smul.u32 $0xA00, s16;
	s9 =	sadd.s32 $0x1200, s0  }
0x9: {  	p2 =	sne.s32 s16, $0x0;
	_ =	strace $0x80000047;
	s4 =	sshll.u32 s3, $0x4  }
0xa: {  	s3 =	ssub.s32 $0x2, s3;
	s17 =	sor.u32 s16, s4;
	s10 =	sadd.s32 s4, s0  }
0xb: {  	s26 =	sshrl.u32 s3, $0x1;
	s5 =	sshrl.u32 s5, $0x2;
	s16 =	simm.s32 $0x0  }
0xc: {  	s6 =	smin.u32 s17, $0x18;
	s7 =	smul.u32 $0x480, s17;
	s11 =	ssub.s32 s3, s26  }
0xd: {  	s3 =	sadd.s32 s5, s1;
	s10 =	sadd.s32 $0xB200, s10;
	p0 =	sgt.u32 s17, $0x17  }
0xe: {  	p3 =	sne.s32 s17, $0x1F;
	s26 =	simm.s32 $0x4A80;
	s25 =	sshll.u32 s6, $0x7  }
.Ltmp0:
0xf: {  	s6 =	sadd.s32 $0x4ECE00, s0;
	p1 =	sne.s32 @p0 s17, $0x1F;
	(pc) =	sbr.rel .LBB2_1-.Ltmp0, $4  }
0x10: {  	s11 =	smax.u32 s11, $0x1;
	s7 =	sadd.s32 s7, s25;
	p1 =	por p1, !p0  }
0x11: {  	s25 =	simm.s32 $0x4E00;
	s4 =	sadd.s32 s8, s7;
	s5 =	sadd.s32 s9, s7  }
0x12: {  	s12 =	sadd.s32 $0x480, s7;
	s7 =	sadd.s32 $0xAE00, s0;
	s0 =	simm.s32 $0x4F80  }
0x13: {  	v0 =	vimm.f32 $0.0e+00;
	s8 =	sadd.s32 s8, s12;
	s9 =	sadd.s32 s9, s12;
	s12 =	simm.s32 $0x5400  }
.LBB2_4:
0x14: {  	s17 =	simm.s32 $0x4800;
	s18 =	simm.s32 $0x4C00  }
0x15: {  	[spmem:s1] =	stream.indirect.scatter.add.f32 [tilespmem:s18], [sflag:$0x1], $0x1, s17, s15, $0xb8;
	[tilespmem:$0x5900] =	vst v63  }
0x16: {  	_ =	swait.ge [sflag:s13], $0x80  }
0x17: {  	[sflag:s13] =	ssyncset.done $0x0  }
0x18: {  	s19 =	simm.s32 $0x4C80;
	s18 =	simm.s32 $0x4880;
	[sflag:s13] =	ssyncadd.s32 $0xFFFFFF80  }
0x19: {  	[spmem:s1] =	stream.indirect.scatter.add.f32 [tilespmem:s19], [sflag:$0x1], $0x1, s18, s15, $0xb8;
	[tilespmem:$0x5900] =	vst v63  }
0x1a: {  	_ =	swait.ge [sflag:s13], $0x80  }
0x1b: {  	[sflag:s13] =	ssyncset.done $0x0  }
0x1c: {  	s20 =	simm.s32 $0x4900;
	s21 =	simm.s32 $0x4D00;
	[sflag:s13] =	ssyncadd.s32 $0xFFFFFF80  }
0x1d: {  	[spmem:s1] =	stream.indirect.scatter.add.f32 [tilespmem:s21], [sflag:$0x1], $0x1, s20, s15, $0xb8;
	[tilespmem:$0x5900] =	vst v63  }
0x1e: {  	_ =	swait.ge [sflag:s13], $0x80  }
0x1f: {  	[sflag:s13] =	ssyncset.done $0x0  }
0x20: {  	[sflag:s13] =	ssyncadd.s32 $0xFFFFFF80  }
0x21: {  	[spmem:s1] =	stream.indirect.scatter.add.f32 [tilespmem:s23], [sflag:$0x1], $0x1, s22, s15, $0xb8;
	[tilespmem:$0x5900] =	vst v63  }
0x22: {  	_ =	swait.ge [sflag:s13], $0x80  }
0x23: {  	[sflag:s13] =	ssyncset.done $0x0  }
0x24: {  	[sflag:s13] =	ssyncadd.s32 $0xFFFFFF80  }
0x25: {  	[spmem:s1] =	stream.indirect.scatter.add.f32 [tilespmem:s25], [sflag:$0x1], $0x1, s24, s15, $0xb8;
	[tilespmem:$0x5900] =	vst v63  }
0x26: {  	_ =	swait.ge [sflag:s13], $0x80  }
0x27: {  	[sflag:s13] =	ssyncset.done $0x0  }
0x28: {  	[sflag:s13] =	ssyncadd.s32 $0xFFFFFF80  }
0x29: {  	[spmem:s1] =	stream.indirect.scatter.add.f32 [tilespmem:s28], [sflag:$0x1], $0x1, s26, s15, $0xb8;
	[tilespmem:$0x5900] =	vst v63  }
0x2a: {  	_ =	swait.ge [sflag:s13], $0x80  }
0x2b: {  	[sflag:s13] =	ssyncset.done $0x0  }
0x2c: {  	[sflag:s13] =	ssyncadd.s32 $0xFFFFFF80  }
0x2d: {  	[spmem:s1] =	stream.indirect.scatter.add.f32 [tilespmem:s30], [sflag:$0x1], $0x1, s29, s15, $0xb8;
	[tilespmem:$0x5900] =	vst v63  }
0x2e: {  	_ =	swait.ge [sflag:s13], $0x80  }
0x2f: {  	[sflag:s13] =	ssyncset.done $0x0  }
0x30: {  	[sflag:s13] =	ssyncadd.s32 $0xFFFFFF80  }
0x31: {  	[spmem:s1] =	stream.indirect.scatter.add.f32 [tilespmem:s0], [sflag:$0x1], $0x1, s31, s15, $0xb8;
	[tilespmem:$0x5900] =	vst v63  }
.LBB2_7:
0x32: {  	_ =	swait.ge [sflag:s13], $0x80  }
0x33: {  	[sflag:s13] =	ssyncset.done $0x0  }
0x34: {  	[sflag:s13] =	ssyncadd.s32 $0xFFFFFF80  }
.LBB2_8:
0x35: {  	[bflag:$0x0] =	sbarrier.arrive $0xFFFF;
	s17 =	sshrl.u32 @!p2 s1, $0x3;
	s16 =	sadd.s32 $0x1, s16  }
0x36: {  	s18 =	simm.s32 @!p2 $0x1;
	s19 =	simm.s32 @!p2 $0x20;
	p4 =	sne.s32 s16, s11  }
.Ltmp1:
0x37: {  	s20 =	simm.s32 @!p2 $0x10;
	s21 =	simm.s32 @!p2 $0x1C01;
	(pc) =	sbr.rel @!p4 .LBB2_9-.Ltmp1, $4  }
0x38: {  	[hbm:s10@s19], [sflag:s21] =	dma.strided @!p2 [spmem:s17@s20], $0x500, s18, $0x10   }
0x39: {  	_ =	swait.ge @!p2 [sflag:s18], $0x500  }
0x3a: {  	[sflag:s18] =	ssyncset.done @!p2 $0x0  }
0x3b: {  	[sflag:s18] =	ssyncadd.s32 @!p2 $0xFFFFFB00  }
.LBB2_1:
0x3c: {  	[tilespmem:$0x5400] =	vst v0  }
0x3d: {  	[tilespmem:$0x5410] =	vst v0  }
0x3e: {  	[tilespmem:$0x5420] =	vst v0  }
0x3f: {  	[tilespmem:$0x5430] =	vst v0  }
0x40: {  	[tilespmem:$0x5440] =	vst v0  }
0x41: {  	[tilespmem:$0x5450] =	vst v0  }
0x42: {  	[tilespmem:$0x5460] =	vst v0  }
0x43: {  	[tilespmem:$0x5470] =	vst v0  }
0x44: {  	[tilespmem:$0x5480] =	vst v0  }
0x45: {  	[tilespmem:$0x5490] =	vst v0  }
0x46: {  	[tilespmem:$0x54A0] =	vst v0  }
0x47: {  	[tilespmem:$0x54B0] =	vst v0  }
0x48: {  	[tilespmem:$0x54C0] =	vst v0  }
0x49: {  	[tilespmem:$0x54D0] =	vst v0  }
0x4a: {  	[tilespmem:$0x54E0] =	vst v0  }
0x4b: {  	[tilespmem:$0x54F0] =	vst v0  }
0x4c: {  	[tilespmem:$0x5500] =	vst v0  }
0x4d: {  	[tilespmem:$0x5510] =	vst v0  }
0x4e: {  	[tilespmem:$0x5520] =	vst v0  }
0x4f: {  	[tilespmem:$0x5530] =	vst v0  }
0x50: {  	[tilespmem:$0x5540] =	vst v0  }
0x51: {  	[tilespmem:$0x5550] =	vst v0  }
0x52: {  	[tilespmem:$0x5560] =	vst v0  }
0x53: {  	[tilespmem:$0x5570] =	vst v0  }
0x54: {  	[tilespmem:$0x5580] =	vst v0  }
0x55: {  	[tilespmem:$0x5590] =	vst v0  }
0x56: {  	[tilespmem:$0x55A0] =	vst v0  }
0x57: {  	[tilespmem:$0x55B0] =	vst v0  }
0x58: {  	[tilespmem:$0x55C0] =	vst v0  }
0x59: {  	[tilespmem:$0x55D0] =	vst v0  }
0x5a: {  	[tilespmem:$0x55E0] =	vst v0  }
0x5b: {  	[tilespmem:$0x55F0] =	vst v0  }
0x5c: {  	[tilespmem:$0x5600] =	vst v0  }
0x5d: {  	[tilespmem:$0x5610] =	vst v0  }
0x5e: {  	[tilespmem:$0x5620] =	vst v0  }
0x5f: {  	[tilespmem:$0x5630] =	vst v0  }
0x60: {  	[tilespmem:$0x5640] =	vst v0  }
0x61: {  	[tilespmem:$0x5650] =	vst v0  }
0x62: {  	[tilespmem:$0x5660] =	vst v0  }
0x63: {  	[tilespmem:$0x5670] =	vst v0  }
0x64: {  	[spmem:s3] =	stream.linear.scatter [tilespmem:s12], [sflag:$0x1], $0x280, $0x38;
	[tilespmem:$0x5900] =	vst v63  }
0x65: {  	_ =	swait.ge [sflag:s13], $0x280  }
0x66: {  	[sflag:s13] =	ssyncset.done $0x0  }
0x67: {  	[sflag:s13] =	ssyncadd.s32 $0xFFFFFD80  }
0x68: {  	[tilespmem:s2], [sflag:$0x1] =	stream.linear.gather [hbm4b:s4+s2], $0x2400, $0x38;
	[tilespmem:$0x5900] =	vst v63  }
0x69: {  	_ =	swait.ge [sflag:s13], $0x2400  }
0x6a: {  	[sflag:s13] =	ssyncset.done $0x0  }
0x6b: {  	[sflag:s13] =	ssyncadd.s32 $0xFFFFDC00  }
0x6c: {  	[tilespmem:s14], [sflag:$0x1] =	stream.linear.gather [hbm4b:s5+s2], $0x2400, $0x38;
	[tilespmem:$0x5900] =	vst v63  }
0x6d: {  	_ =	swait.ge [sflag:s13], $0x2400  }
0x6e: {  	[sflag:s13] =	ssyncset.done $0x0  }
0x6f: {  	s17 =	simm.s32 @!p1 $0x0;
	s18 =	simm.s32 @!p1 $0x5000;
	[sflag:s13] =	ssyncadd.s32 $0xFFFFDC00  }
0x70: {  	[tilespmem:s18], [sflag:$0x1] =	stream.linear.gather @!p1 [hbm4b:s6+s17], $0x200, $0x38;
	[tilespmem:$0x5900] =	vst v63  }
0x71: {  	s18 =	simm.s32 @!p1 $0x1  }
0x72: {  	_ =	swait.ge @!p1 [sflag:s18], $0x200  }
0x73: {  	[sflag:s18] =	ssyncset.done @!p1 $0x0  }
0x74: {  	s19 =	simm.s32 @!p1 $0x5200;
	[sflag:s18] =	ssyncadd.s32 @!p1 $0xFFFFFE00  }
0x75: {  	[tilespmem:s19], [sflag:$0x1] =	stream.linear.gather @!p1 [hbm4b:s7+s17], $0x200, $0x38;
	[tilespmem:$0x5900] =	vst v63  }
0x76: {  	_ =	swait.ge @!p1 [sflag:s18], $0x200  }
0x77: {  	[sflag:s18] =	ssyncset.done @!p1 $0x0  }
0x78: {  	s17 =	simm.s32 @!p0 $0x0;
	[sflag:s18] =	ssyncadd.s32 @!p1 $0xFFFFFE00;
	s18 =	simm.s32 @!p0 $0x4800  }
0x79: {  	[tilespmem:s18], [sflag:$0x1] =	stream.linear.gather @!p0 [hbm4b:s8+s17], $0x400, $0x38;
	[tilespmem:$0x5900] =	vst v63  }
0x7a: {  	s18 =	simm.s32 @!p0 $0x1  }
0x7b: {  	_ =	swait.ge @!p0 [sflag:s18], $0x400  }
0x7c: {  	[sflag:s18] =	ssyncset.done @!p0 $0x0  }
0x7d: {  	s19 =	simm.s32 @!p0 $0x4C00;
	[sflag:s18] =	ssyncadd.s32 @!p0 $0xFFFFFC00  }
0x7e: {  	[tilespmem:s19], [sflag:$0x1] =	stream.linear.gather @!p0 [hbm4b:s9+s17], $0x400, $0x38;
	[tilespmem:$0x5900] =	vst v63  }
0x7f: {  	_ =	swait.ge @!p0 [sflag:s18], $0x400  }
0x80: {  	[sflag:s18] =	ssyncset.done @!p0 $0x0  }
0x81: {  	[sflag:s18] =	ssyncadd.s32 @!p0 $0xFFFFFC00  }
0x82: {  	s20 =	simm.s32 $0x0;
	s21 =	simm.s32 $0x2400;
	[bflag:$0x0] =	sbarrier.arrive $0xFFFF  }
0x83: {  	[spmem:s1] =	stream.indirect.scatter.add.f32 [tilespmem:s21], [sflag:$0x1], $0x1, s20, s15, $0xb8;
	[tilespmem:$0x5900] =	vst v63  }
0x84: {  	s17 =	simm.s32 $0x200;
	_ =	swait.ge [sflag:s13], $0x80  }
.LBB2_2:
0x85: {  	s18 =	sshra.s32 s17, $0x2;
	[sflag:s13] =	ssyncset.done $0x0;
	p4 =	sne.s32 s17, $0x8E00  }
.Ltmp2:
0x86: {  	s19 =	sadd.s32 $0x2400, s18;
	[sflag:s13] =	ssyncadd.s32 $0xFFFFFF80;
	(pc) =	sbr.rel @p4 .LBB2_2-.Ltmp2, $3  }
0x87: {  	[spmem:s1] =	stream.indirect.scatter.add.f32 [tilespmem:s19], [sflag:$0x1], $0x1, s18, s15, $0xb8;
	[tilespmem:$0x5900] =	vst v63  }
0x88: {  	s17 =	sadd.s32 $0x200, s17;
	_ =	sdelay $0x1  }
0x89: {  	_ =	swait.ge [sflag:s13], $0x80  }
.Ltmp3:
0x8a: {  	(pc) =	sbr.rel @!p0 .LBB2_4-.Ltmp3, $3  }
0x8b: {  	_ =	sdelay $0x1  }
0x8c: {  	[sflag:s13] =	ssyncset.done $0x0  }
0x8d: {  	[sflag:s13] =	ssyncadd.s32 $0xFFFFFF80  }
.Ltmp4:
0x8e: {  	(pc) =	sbr.rel @p3 .LBB2_8-.Ltmp4, $1  }
0x8f: {  	_ =	sdelay $0x3  }
0x90: {  	s17 =	simm.s32 $0x5000;
	s18 =	simm.s32 $0x5200  }
0x91: {  	[spmem:s1] =	stream.indirect.scatter.add.f32 [tilespmem:s18], [sflag:$0x1], $0x1, s17, s15, $0xb8;
	[tilespmem:$0x5900] =	vst v63  }
0x92: {  	_ =	swait.ge [sflag:s13], $0x80  }
0x93: {  	[sflag:s13] =	ssyncset.done $0x0  }
0x94: {  	s20 =	simm.s32 $0x5080;
	s21 =	simm.s32 $0x5280;
	[sflag:s13] =	ssyncadd.s32 $0xFFFFFF80  }
0x95: {  	[spmem:s1] =	stream.indirect.scatter.add.f32 [tilespmem:s21], [sflag:$0x1], $0x1, s20, s15, $0xb8;
	[tilespmem:$0x5900] =	vst v63  }
0x96: {  	_ =	swait.ge [sflag:s13], $0x80  }
0x97: {  	[sflag:s13] =	ssyncset.done $0x0  }
0x98: {  	s19 =	simm.s32 $0x5300;
	s18 =	simm.s32 $0x5100;
	[sflag:s13] =	ssyncadd.s32 $0xFFFFFF80  }
0x99: {  	[spmem:s1] =	stream.indirect.scatter.add.f32 [tilespmem:s19], [sflag:$0x1], $0x1, s18, s15, $0xb8;
	[tilespmem:$0x5900] =	vst v63  }
.Ltmp5:
0x9a: {  	_ = 	snop;
	(pc) =	sbr.rel .LBB2_7-.Ltmp5, $4  }
0x9b: {  	_ =	swait.ge [sflag:s13], $0x80  }
0x9c: {  	[sflag:s13] =	ssyncset.done $0x0  }
0x9d: {  	s20 =	simm.s32 $0x5180;
	s21 =	simm.s32 $0x5380;
	[sflag:s13] =	ssyncadd.s32 $0xFFFFFF80  }
0x9e: {  	[spmem:s1] =	stream.indirect.scatter.add.f32 [tilespmem:s21], [sflag:$0x1], $0x1, s20, s15, $0xb8;
	[tilespmem:$0x5900] =	vst v63  }
.LBB2_9:
0x9f: {  	_ =	sfence.sel $0x180000  }
0xa0: {  	[bflag:$0x0] =	sbarrier.arrive $0xFFFF  }
0xa1: {  	_ =	strace $0x90000047  }
0xa2: {  	[bflag:$0x2] =	sbarrier.arrive $0xFFFF  }
0xa3: {  	s0 =	rddreg [dreg:$0x2]  }
0xa4: {  	s0 =	sadd.s32 @!p2 $0x100000, s0  }
0xa5: {  	[sflag:s0] =	ssyncadd.tile.s32 @!p2 $0x1;
	_ =	shalt  }
.Lfunc_end2:
_tile_overlayer_lowered:
.L_overlay_start_2:
0xa6: {  	(tag) =	ssettag $0x2  }
0xa7: {  	s0 =	rddreg [dreg:$0x0];
	s2 =	stileid.u32  }
0xa8: {  	s1 =	rddreg [dreg:$0x1];
	p0 =	sne.s32 s2, $0x0  }
0xa9: {  	s3 =	rddreg [dreg:$0x2];
	[bflag:$0x3] =	sbarrier.arrive $0xFFFF;
	s2 =	simm.s32 @!p0 $0x1C01  }
0xaa: {  	[timem:s3], [sflag:s2] =	dma.local @!p0 [hbm:s0], s1  }
0xab: {  	s0 =	simm.s32 @!p0 $0x1  }
0xac: {  	_ =	swait.ge @!p0 [sflag:s0], s1  }
0xad: {  	s1 =	ssub.s32 @!p0 $0x0, s1;
	[sflag:s0] =	ssyncset.done @!p0 $0x0  }
0xae: {  	[sflag:s0] =	ssyncadd.s32 @!p0 s1  }
0xaf: {  	[bflag:$0x3] =	sbarrier.arrive $0xFFFF  }
0xb0: {  	_ =	shalt  }

</sc_bundles>
